<compile_context>
chip_gen: v7x
topology: tpu7x:2x2x1
jax: 0.10.2.dev20260603
libtpu: 0.0.44.dev20260713+nightly
codegen_flags: <defaults>
</compile_context>

<pallas_src>
import functools

import jax
import jax.numpy as jnp
from jax import lax
from jax.experimental import pallas as pl
from jax.experimental.pallas import tpu as pltpu
from jax.experimental.pallas import tpu_sc as plsc

N = 10000
D = 128
NC = 2
NS = 16
NW = NC * NS
CK = 128
NC0 = 105
NC1 = 53
NCHUNK = 105
EP = NS * CK * (NC0 + NC1)
DEG_E = 327680
ROWS_PAD = 10112
RPT = ROWS_PAD // NS
TRASH = N
DEG_PAD = 10240

_mesh = plsc.VectorSubcoreMesh(core_axis_name="c", subcore_axis_name="s")


@functools.partial(
    pl.kernel,
    out_type=jax.ShapeDtypeStruct((NW, DEG_PAD), jnp.float32),
    mesh=_mesh,
    scratch_types=[
        pltpu.VMEM((DEG_E // NW,), jnp.int32),
        pltpu.VMEM((DEG_PAD,), jnp.float32),
    ],
    compiler_params=pltpu.CompilerParams(needs_layout_passes=False),
)
def _deg_kernel(dst_hbm, out_hbm, idx_v, deg_v):
    c = lax.axis_index("c")
    s = lax.axis_index("s")
    wid = c * NS + s
    pltpu.sync_copy(dst_hbm.at[wid], idx_v)
    zeros = jnp.zeros((16,), jnp.float32)

    def zbody(i, carry):
        deg_v[pl.ds(i * 16, 16)] = zeros
        return carry

    lax.fori_loop(0, DEG_PAD // 16, zbody, 0)
    ones = jnp.ones((16,), jnp.float32)

    def body(i, carry):
        idx = idx_v[pl.ds(i * 16, 16)]
        plsc.addupdate_scatter(deg_v, [idx], ones)
        return carry

    lax.fori_loop(0, DEG_E // NW // 16, body, 0)
    pltpu.sync_copy(deg_v, out_hbm.at[wid])


@functools.partial(
    pl.kernel,
    out_type=jax.ShapeDtypeStruct((NC, N, D), jnp.float32),
    mesh=_mesh,
    scratch_types=[
        pltpu.VMEM((NCHUNK, CK), jnp.int32),
        pltpu.VMEM((NCHUNK, CK), jnp.int32),
        pltpu.VMEM((CK, D), jnp.float32),
        pltpu.VMEM_SHARED((ROWS_PAD, D), jnp.float32),
        pltpu.SemaphoreType.DMA,
    ],
    compiler_params=pltpu.CompilerParams(needs_layout_passes=False),
)
def _agg_kernel(h_hbm, src_hbm, dst_hbm, out_hbm,
                src_v, dst_v, st0, acc_sh, gsem):
    c = lax.axis_index("c")
    s = lax.axis_index("s")
    wid = c * NS + s
    base = s * RPT
    pltpu.sync_copy(src_hbm.at[wid], src_v)
    pltpu.sync_copy(dst_hbm.at[wid], dst_v)
    zeros = jnp.zeros((16,), jnp.float32)

    def zbody(i, carry):
        for j in range(D // 16):
            st0[i, pl.ds(j * 16, 16)] = zeros
        return carry

    lax.fori_loop(0, CK, zbody, 0)
    for k in range(RPT // CK):
        pltpu.sync_copy(st0, acc_sh.at[pl.ds(base + k * CK, CK)])
    rem = RPT - (RPT // CK) * CK
    if rem:
        pltpu.sync_copy(st0.at[pl.ds(0, rem)],
                        acc_sh.at[pl.ds(base + (RPT // CK) * CK, rem)])
    plsc.subcore_barrier()

    def body(ci, carry):
        pltpu.async_copy(h_hbm.at[src_v.at[ci]], st0, gsem).wait()
        pltpu.sync_copy(st0, acc_sh.at[dst_v.at[ci]], add=True)
        return carry

    nchunk = jnp.where(c == 0, NC0, NC1)
    lax.fori_loop(0, nchunk, body, 0)
    plsc.subcore_barrier()
    last = N - (NS - 1) * RPT

    @pl.when(s < NS - 1)
    def _copy_full():
        pltpu.sync_copy(acc_sh.at[pl.ds(base, RPT)],
                        out_hbm.at[c, pl.ds(base, RPT)])

    @pl.when(s == NS - 1)
    def _copy_last():
        pltpu.sync_copy(acc_sh.at[pl.ds(base, last)],
                        out_hbm.at[c, pl.ds(base, last)])


BLK = 400
GRID = 25


def _tdis_body(degp_ref, dis_ref):
    deg = jnp.sum(degp_ref[...], axis=0) + 1.0
    dis_ref[...] = lax.rsqrt(deg)[:, None]


_tdis = pl.pallas_call(
    _tdis_body,
    in_specs=[pl.BlockSpec((NW, DEG_PAD), lambda: (0, 0))],
    out_specs=pl.BlockSpec((DEG_PAD, 1), lambda: (0, 0)),
    out_shape=jax.ShapeDtypeStruct((DEG_PAD, 1), jnp.float32),
)


def _t1_body(x_ref, w_ref, dis_ref, h_ref):
    h = jnp.dot(x_ref[...], w_ref[...],
                preferred_element_type=jnp.float32,
                precision=lax.Precision.HIGHEST)
    h_ref[...] = h * dis_ref[...]


_t1 = pl.pallas_call(
    _t1_body,
    grid=(GRID,),
    in_specs=[
        pl.BlockSpec((BLK, D), lambda i: (i, 0)),
        pl.BlockSpec((D, D), lambda i: (0, 0)),
        pl.BlockSpec((BLK, 1), lambda i: (i, 0)),
    ],
    out_specs=pl.BlockSpec((BLK, D), lambda i: (i, 0)),
    out_shape=jax.ShapeDtypeStruct((N, D), jnp.float32),
)


def _tmid_body(p_ref, hp_ref, dis_ref, b_ref, w_ref, out_ref):
    dis = dis_ref[...]
    h = dis * (p_ref[0] + p_ref[1] + hp_ref[...]) + b_ref[...]
    h = jnp.where(h >= 0, h, 0.01 * h)
    out_ref[...] = jnp.dot(h, w_ref[...],
                           preferred_element_type=jnp.float32,
                           precision=lax.Precision.HIGHEST) * dis


_tmid = pl.pallas_call(
    _tmid_body,
    grid=(GRID,),
    in_specs=[
        pl.BlockSpec((NC, BLK, D), lambda i: (0, i, 0)),
        pl.BlockSpec((BLK, D), lambda i: (i, 0)),
        pl.BlockSpec((BLK, 1), lambda i: (i, 0)),
        pl.BlockSpec((1, D), lambda i: (0, 0)),
        pl.BlockSpec((D, D), lambda i: (0, 0)),
    ],
    out_specs=pl.BlockSpec((BLK, D), lambda i: (i, 0)),
    out_shape=jax.ShapeDtypeStruct((N, D), jnp.float32),
)


def _t4_body(p_ref, zp_ref, dis_ref, b_ref, out_ref):
    out_ref[...] = (dis_ref[...] * (p_ref[0] + p_ref[1] + zp_ref[...])
                    + b_ref[...])


_t4 = pl.pallas_call(
    _t4_body,
    grid=(GRID,),
    in_specs=[
        pl.BlockSpec((NC, BLK, D), lambda i: (0, i, 0)),
        pl.BlockSpec((BLK, D), lambda i: (i, 0)),
        pl.BlockSpec((BLK, 1), lambda i: (i, 0)),
        pl.BlockSpec((1, D), lambda i: (0, 0)),
    ],
    out_specs=pl.BlockSpec((BLK, D), lambda i: (i, 0)),
    out_shape=jax.ShapeDtypeStruct((N, D), jnp.float32),
)


def kernel(x, W1, b1, W2, b2, Wmu, bmu, Wls, bls, edge_index):
    src = edge_index[0].astype(jnp.int32)
    dst = edge_index[1].astype(jnp.int32)
    e = src.shape[0]
    src_p = jnp.concatenate([src, jnp.zeros((EP - e,), jnp.int32)])
    dst_p = jnp.concatenate([dst, jnp.full((EP - e,), TRASH, jnp.int32)])
    n0 = NS * NC0 * CK
    s0 = jnp.pad(src_p[:n0].reshape(NS, NC0, CK),
                 ((0, 0), (0, NCHUNK - NC0), (0, 0)))
    d0 = jnp.pad(dst_p[:n0].reshape(NS, NC0, CK),
                 ((0, 0), (0, NCHUNK - NC0), (0, 0)), constant_values=TRASH)
    s1 = jnp.pad(src_p[n0:].reshape(NS, NC1, CK),
                 ((0, 0), (0, NCHUNK - NC1), (0, 0)))
    d1 = jnp.pad(dst_p[n0:].reshape(NS, NC1, CK),
                 ((0, 0), (0, NCHUNK - NC1), (0, 0)), constant_values=TRASH)
    src3 = jnp.concatenate([s0, s1])
    dst3 = jnp.concatenate([d0, d1])
    dst2 = jnp.concatenate(
        [dst, jnp.full((DEG_E - e,), TRASH, jnp.int32)]).reshape(NW, -1)

    degp = _deg_kernel(dst2)
    dis = _tdis(degp)[:N]
    h1p = _t1(x, W1, dis)
    p1 = _agg_kernel(h1p, src3, dst3)
    h2p = _tmid(p1, h1p, dis, b1.reshape(1, D), W2)
    p2 = _agg_kernel(h2p, src3, dst3)
    wcat = jnp.concatenate([Wmu, Wls], axis=1)
    bcat = jnp.concatenate([bmu, bls]).reshape(1, D)
    zp = _tmid(p2, h2p, dis, b2.reshape(1, D), wcat)
    p3 = _agg_kernel(zp, src3, dst3)
    out = _t4(p3, zp, dis, bcat)
    return (out[:, :64], out[:, 64:])

# --- scband reference (transcript-rebuilt; emitter-appended) ---
"""Pipeline reference for scband-encoder-111669149946 (READ-ONLY COPY).

The authoritative reference and input builder live on the scoring server;
editing this copy changes nothing except your own understanding.
"""

import jax, jax.numpy as jnp
import numpy as np

N = 10000
D_IN = 128
D_HID = 128
D_OUT = 64
E = 320000


def setup_inputs(seed: int = 0) -> dict:
    key = jax.random.key(seed)
    ks = jax.random.split(key, 12)
    x = jax.random.normal(ks[0], (N, D_IN), dtype=jnp.float32)
    edge_index = jax.random.randint(ks[1], (2, E), 0, N, dtype=jnp.int64)
    def glorot(k, fan_in, fan_out):
        lim = jnp.sqrt(6.0 / (fan_in + fan_out))
        return jax.random.uniform(k, (fan_in, fan_out), dtype=jnp.float32, minval=-lim, maxval=lim)
    W1 = glorot(ks[2], D_IN, D_HID)
    b1 = jnp.zeros((D_HID,), dtype=jnp.float32)
    W2 = glorot(ks[3], D_HID, D_HID)
    b2 = jnp.zeros((D_HID,), dtype=jnp.float32)
    Wmu = glorot(ks[4], D_HID, D_OUT)
    bmu = jnp.zeros((D_OUT,), dtype=jnp.float32)
    Wls = glorot(ks[5], D_HID, D_OUT)
    bls = jnp.zeros((D_OUT,), dtype=jnp.float32)
    return {"x": x, "W1": W1, "b1": b1, "W2": W2, "b2": b2,
            "Wmu": Wmu, "bmu": bmu, "Wls": Wls, "bls": bls,
            "edge_index": edge_index}


def _gcn_conv(x, W, b, src, dst, n_nodes):
    # GCNConv: D^{-1/2} (A + I) D^{-1/2} X W + b
    h = x @ W
    deg = jnp.zeros((n_nodes,), dtype=h.dtype).at[dst].add(1.0)
    deg_inv_sqrt = jax.lax.rsqrt(jnp.maximum(deg, 1.0))
    norm = deg_inv_sqrt[src] * deg_inv_sqrt[dst]
    msg = h[src] * norm[:, None]
    out = jnp.zeros((n_nodes, h.shape[1]), dtype=h.dtype).at[dst].add(msg)
    return out + b


def reference(x, W1, b1, W2, b2, Wmu, bmu, Wls, bls, edge_index):
    n_nodes = x.shape[0]
    loop = jnp.arange(n_nodes, dtype=edge_index.dtype)
    src = jnp.concatenate([edge_index[0], loop])
    dst = jnp.concatenate([edge_index[1], loop])
    h = jax.nn.leaky_relu(_gcn_conv(x, W1, b1, src, dst, n_nodes), negative_slope=0.01)
    # dropout is identity in eval mode
    h = jax.nn.leaky_relu(_gcn_conv(h, W2, b2, src, dst, n_nodes), negative_slope=0.01)
    mu = _gcn_conv(h, Wmu, bmu, src, dst, n_nodes)
    logstd = _gcn_conv(h, Wls, bls, src, dst, n_nodes)
    return (mu, logstd)

if __name__ == "__main__":
    import jax
    _d = setup_inputs()
    print(jax.jit(kernel)(*tuple(_d.values())))

</pallas_src>

<mosaic_0001>
#map = affine_map<(d0, d1) -> (0, 0)>
#map1 = affine_map<(d0, d1) -> (0, 0, 0)>
module attributes {stable_mosaic.version = 14 : i64} {
  func.func @_agg_kernel(%arg0: i32, %arg1: i32, %arg2: memref<10000x128xf32, #tpu.memory_space<hbm>>, %arg3: memref<32x105x128xi32, #tpu.memory_space<hbm>>, %arg4: memref<32x105x128xi32, #tpu.memory_space<hbm>>, %arg5: memref<2x10000x128xf32, #tpu.memory_space<hbm>>, %arg6: memref<105x128xi32, #tpu.memory_space<vmem>>, %arg7: memref<105x128xi32, #tpu.memory_space<vmem>>, %arg8: memref<128x128xf32, #tpu.memory_space<vmem>>, %arg9: memref<10112x128xf32, #tpu.memory_space<vmem_shared>>, %arg10: memref<!tpu.dma_semaphore, #tpu.memory_space<semaphore_mem>>) attributes {dimension_semantics = [#tpu.dimension_semantics<core_parallel>, #tpu.dimension_semantics<subcore_parallel>], iteration_bounds = array<i64: 2, 16>, scalar_prefetch = 0 : i64, scratch_operands = 5 : i64, tpu.core_type = #tpu.core_type<sc_vector_subcore>, window_params = [{transform_indices = #map}, {transform_indices = #map1}, {transform_indices = #map1}, {transform_indices = #map1}]} {
    %mul3A = arith.constant 16 : i32
    %mul3A_0 = arith.muli %arg0, %mul3A : i32
    %add3A = arith.addi %mul3A_0, %arg1 : i32
    %mul3A_1 = arith.constant 632 : i32
    %mul3A_2 = arith.muli %arg1, %mul3A_1 : i32
    "tpu.region"() ({
      %run_scoped3A = tpu.sem_alloc : memref<!tpu.dma_semaphore, #tpu.memory_space<semaphore_mem>>
      %dma_start3A = arith.constant 0 : i32
      %dma_start3A_38 = arith.constant 0 : i32
      %dma_start3A_39 = tpu.memref_slice %arg3[%add3A, %dma_start3A, %dma_start3A_38] : memref<32x105x128xi32, #tpu.memory_space<hbm>> -> memref<1x105x128xi32, #tpu.memory_space<hbm>>
      %dma_start3A_40 = tpu.memref_squeeze %dma_start3A_39 : memref<1x105x128xi32, #tpu.memory_space<hbm>> -> memref<105x128xi32, #tpu.memory_space<hbm>>
      %dma_start3A_41 = arith.constant 0 : i32
      %dma_start3A_42 = arith.constant 0 : i32
      %dma_start3A_43 = tpu.memref_slice %arg3[%add3A, %dma_start3A_41, %dma_start3A_42] : memref<32x105x128xi32, #tpu.memory_space<hbm>> -> memref<1x105x128xi32, #tpu.memory_space<hbm>>
      %dma_start3A_44 = tpu.memref_squeeze %dma_start3A_43 : memref<1x105x128xi32, #tpu.memory_space<hbm>> -> memref<105x128xi32, #tpu.memory_space<hbm>>
      tpu.enqueue_dma source(%dma_start3A_44 : memref<105x128xi32, #tpu.memory_space<hbm>>) target(%arg6 : memref<105x128xi32, #tpu.memory_space<vmem>>) target_semaphore(%run_scoped3A : memref<!tpu.dma_semaphore, #tpu.memory_space<semaphore_mem>>)
      %dma_wait3A = arith.constant 0 : i32
      %dma_wait3A_45 = arith.constant 0 : i32
      %dma_wait3A_46 = tpu.memref_slice %arg3[%add3A, %dma_wait3A, %dma_wait3A_45] : memref<32x105x128xi32, #tpu.memory_space<hbm>> -> memref<1x105x128xi32, #tpu.memory_space<hbm>>
      %dma_wait3A_47 = tpu.memref_squeeze %dma_wait3A_46 : memref<1x105x128xi32, #tpu.memory_space<hbm>> -> memref<105x128xi32, #tpu.memory_space<hbm>>
      %dma_wait3A_48 = arith.constant 0 : i32
      %dma_wait3A_49 = arith.constant 0 : i32
      %dma_wait3A_50 = tpu.memref_slice %arg3[%add3A, %dma_wait3A_48, %dma_wait3A_49] : memref<32x105x128xi32, #tpu.memory_space<hbm>> -> memref<1x105x128xi32, #tpu.memory_space<hbm>>
      %dma_wait3A_51 = tpu.memref_squeeze %dma_wait3A_50 : memref<1x105x128xi32, #tpu.memory_space<hbm>> -> memref<105x128xi32, #tpu.memory_space<hbm>>
      tpu.wait_dma2 semaphore(%run_scoped3A : memref<!tpu.dma_semaphore, #tpu.memory_space<semaphore_mem>>) src(%dma_wait3A_51 : memref<105x128xi32, #tpu.memory_space<hbm>>) dst(%arg6 : memref<105x128xi32, #tpu.memory_space<vmem>>)
      tpu.yield
    }) : () -> ()
    "tpu.region"() ({
      %run_scoped3A = tpu.sem_alloc : memref<!tpu.dma_semaphore, #tpu.memory_space<semaphore_mem>>
      %dma_start3A = arith.constant 0 : i32
      %dma_start3A_38 = arith.constant 0 : i32
      %dma_start3A_39 = tpu.memref_slice %arg4[%add3A, %dma_start3A, %dma_start3A_38] : memref<32x105x128xi32, #tpu.memory_space<hbm>> -> memref<1x105x128xi32, #tpu.memory_space<hbm>>
      %dma_start3A_40 = tpu.memref_squeeze %dma_start3A_39 : memref<1x105x128xi32, #tpu.memory_space<hbm>> -> memref<105x128xi32, #tpu.memory_space<hbm>>
      %dma_start3A_41 = arith.constant 0 : i32
      %dma_start3A_42 = arith.constant 0 : i32
      %dma_start3A_43 = tpu.memref_slice %arg4[%add3A, %dma_start3A_41, %dma_start3A_42] : memref<32x105x128xi32, #tpu.memory_space<hbm>> -> memref<1x105x128xi32, #tpu.memory_space<hbm>>
      %dma_start3A_44 = tpu.memref_squeeze %dma_start3A_43 : memref<1x105x128xi32, #tpu.memory_space<hbm>> -> memref<105x128xi32, #tpu.memory_space<hbm>>
      tpu.enqueue_dma source(%dma_start3A_44 : memref<105x128xi32, #tpu.memory_space<hbm>>) target(%arg7 : memref<105x128xi32, #tpu.memory_space<vmem>>) target_semaphore(%run_scoped3A : memref<!tpu.dma_semaphore, #tpu.memory_space<semaphore_mem>>)
      %dma_wait3A = arith.constant 0 : i32
      %dma_wait3A_45 = arith.constant 0 : i32
      %dma_wait3A_46 = tpu.memref_slice %arg4[%add3A, %dma_wait3A, %dma_wait3A_45] : memref<32x105x128xi32, #tpu.memory_space<hbm>> -> memref<1x105x128xi32, #tpu.memory_space<hbm>>
      %dma_wait3A_47 = tpu.memref_squeeze %dma_wait3A_46 : memref<1x105x128xi32, #tpu.memory_space<hbm>> -> memref<105x128xi32, #tpu.memory_space<hbm>>
      %dma_wait3A_48 = arith.constant 0 : i32
      %dma_wait3A_49 = arith.constant 0 : i32
      %dma_wait3A_50 = tpu.memref_slice %arg4[%add3A, %dma_wait3A_48, %dma_wait3A_49] : memref<32x105x128xi32, #tpu.memory_space<hbm>> -> memref<1x105x128xi32, #tpu.memory_space<hbm>>
      %dma_wait3A_51 = tpu.memref_squeeze %dma_wait3A_50 : memref<1x105x128xi32, #tpu.memory_space<hbm>> -> memref<105x128xi32, #tpu.memory_space<hbm>>
      tpu.wait_dma2 semaphore(%run_scoped3A : memref<!tpu.dma_semaphore, #tpu.memory_space<semaphore_mem>>) src(%dma_wait3A_51 : memref<105x128xi32, #tpu.memory_space<hbm>>) dst(%arg7 : memref<105x128xi32, #tpu.memory_space<vmem>>)
      tpu.yield
    }) : () -> ()
    %broadcast_in_dim3A = arith.constant 0.000000e+00 : f32
    %broadcast_in_dim3A_3 = vector.broadcast %broadcast_in_dim3A : f32 to vector<16xf32>
    %scan3A = arith.constant 0 : i32
    %scan3A_4 = arith.constant 0 : i32
    %scan3A_5 = arith.constant 128 : i32
    %scan3A_6 = arith.addi %scan3A_4, %scan3A_5 : i32
    %scan3A_7 = arith.constant 1 : i32
    scf.for %scan3A_38 = %scan3A_4 to %scan3A_6 step %scan3A_7  : i32 {
      %swap3A = arith.index_cast %scan3A_38 : i32 to index
      %swap3A_39 = arith.constant 0 : index
      %swap3A_40 = tpu.vector_load %arg8[%swap3A, %swap3A_39] {strides = array<i32>} : memref<128x128xf32, #tpu.memory_space<vmem>>, vector<16xf32>,
      tpu.vector_store %arg8[%swap3A, %swap3A_39], %broadcast_in_dim3A_3 {strides = array<i32>} : memref<128x128xf32, #tpu.memory_space<vmem>>, vector<16xf32>,
      %swap3A_41 = arith.index_cast %scan3A_38 : i32 to index
      %swap3A_42 = arith.constant 16 : index
      %swap3A_43 = tpu.vector_load %arg8[%swap3A_41, %swap3A_42] {strides = array<i32>} : memref<128x128xf32, #tpu.memory_space<vmem>>, vector<16xf32>,
      tpu.vector_store %arg8[%swap3A_41, %swap3A_42], %broadcast_in_dim3A_3 {strides = array<i32>} : memref<128x128xf32, #tpu.memory_space<vmem>>, vector<16xf32>,
      %swap3A_44 = arith.index_cast %scan3A_38 : i32 to index
      %swap3A_45 = arith.constant 32 : index
      %swap3A_46 = tpu.vector_load %arg8[%swap3A_44, %swap3A_45] {strides = array<i32>} : memref<128x128xf32, #tpu.memory_space<vmem>>, vector<16xf32>,
      tpu.vector_store %arg8[%swap3A_44, %swap3A_45], %broadcast_in_dim3A_3 {strides = array<i32>} : memref<128x128xf32, #tpu.memory_space<vmem>>, vector<16xf32>,
      %swap3A_47 = arith.index_cast %scan3A_38 : i32 to index
      %swap3A_48 = arith.constant 48 : index
      %swap3A_49 = tpu.vector_load %arg8[%swap3A_47, %swap3A_48] {strides = array<i32>} : memref<128x128xf32, #tpu.memory_space<vmem>>, vector<16xf32>,
      tpu.vector_store %arg8[%swap3A_47, %swap3A_48], %broadcast_in_dim3A_3 {strides = array<i32>} : memref<128x128xf32, #tpu.memory_space<vmem>>, vector<16xf32>,
      %swap3A_50 = arith.index_cast %scan3A_38 : i32 to index
      %swap3A_51 = arith.constant 64 : index
      %swap3A_52 = tpu.vector_load %arg8[%swap3A_50, %swap3A_51] {strides = array<i32>} : memref<128x128xf32, #tpu.memory_space<vmem>>, vector<16xf32>,
      tpu.vector_store %arg8[%swap3A_50, %swap3A_51], %broadcast_in_dim3A_3 {strides = array<i32>} : memref<128x128xf32, #tpu.memory_space<vmem>>, vector<16xf32>,
      %swap3A_53 = arith.index_cast %scan3A_38 : i32 to index
      %swap3A_54 = arith.constant 80 : index
      %swap3A_55 = tpu.vector_load %arg8[%swap3A_53, %swap3A_54] {strides = array<i32>} : memref<128x128xf32, #tpu.memory_space<vmem>>, vector<16xf32>,
      tpu.vector_store %arg8[%swap3A_53, %swap3A_54], %broadcast_in_dim3A_3 {strides = array<i32>} : memref<128x128xf32, #tpu.memory_space<vmem>>, vector<16xf32>,
      %swap3A_56 = arith.index_cast %scan3A_38 : i32 to index
      %swap3A_57 = arith.constant 96 : index
      %swap3A_58 = tpu.vector_load %arg8[%swap3A_56, %swap3A_57] {strides = array<i32>} : memref<128x128xf32, #tpu.memory_space<vmem>>, vector<16xf32>,
      tpu.vector_store %arg8[%swap3A_56, %swap3A_57], %broadcast_in_dim3A_3 {strides = array<i32>} : memref<128x128xf32, #tpu.memory_space<vmem>>, vector<16xf32>,
      %swap3A_59 = arith.index_cast %scan3A_38 : i32 to index
      %swap3A_60 = arith.constant 112 : index
      %swap3A_61 = tpu.vector_load %arg8[%swap3A_59, %swap3A_60] {strides = array<i32>} : memref<128x128xf32, #tpu.memory_space<vmem>>, vector<16xf32>,
      tpu.vector_store %arg8[%swap3A_59, %swap3A_60], %broadcast_in_dim3A_3 {strides = array<i32>} : memref<128x128xf32, #tpu.memory_space<vmem>>, vector<16xf32>,
    }
    %scan3A_8 = arith.constant 128 : i32
    %add3A_9 = arith.constant 0 : i32
    %add3A_10 = arith.addi %mul3A_2, %add3A_9 : i32
    "tpu.region"() ({
      %run_scoped3A = tpu.sem_alloc : memref<!tpu.dma_semaphore, #tpu.memory_space<semaphore_mem>>
      %dma_start3A = arith.constant 0 : i32
      %dma_start3A_38 = tpu.memref_slice %arg9[%add3A_10, %dma_start3A] : memref<10112x128xf32, #tpu.memory_space<vmem_shared>> -> memref<128x128xf32, #tpu.memory_space<vmem_shared>>
      %dma_start3A_39 = arith.constant 0 : i32
      %dma_start3A_40 = tpu.memref_slice %arg9[%add3A_10, %dma_start3A_39] : memref<10112x128xf32, #tpu.memory_space<vmem_shared>> -> memref<128x128xf32, #tpu.memory_space<vmem_shared>>
      tpu.enqueue_dma source(%arg8 : memref<128x128xf32, #tpu.memory_space<vmem>>) target(%dma_start3A_40 : memref<128x128xf32, #tpu.memory_space<vmem_shared>>) target_semaphore(%run_scoped3A : memref<!tpu.dma_semaphore, #tpu.memory_space<semaphore_mem>>)
      %dma_wait3A = arith.constant 0 : i32
      %dma_wait3A_41 = tpu.memref_slice %arg9[%add3A_10, %dma_wait3A] : memref<10112x128xf32, #tpu.memory_space<vmem_shared>> -> memref<128x128xf32, #tpu.memory_space<vmem_shared>>
      %dma_wait3A_42 = arith.constant 0 : i32
      %dma_wait3A_43 = tpu.memref_slice %arg9[%add3A_10, %dma_wait3A_42] : memref<10112x128xf32, #tpu.memory_space<vmem_shared>> -> memref<128x128xf32, #tpu.memory_space<vmem_shared>>
      tpu.wait_dma2 semaphore(%run_scoped3A : memref<!tpu.dma_semaphore, #tpu.memory_space<semaphore_mem>>) src(%arg8 : memref<128x128xf32, #tpu.memory_space<vmem>>) dst(%dma_wait3A_43 : memref<128x128xf32, #tpu.memory_space<vmem_shared>>)
      tpu.yield
    }) : () -> ()
    %add3A_11 = arith.constant 128 : i32
    %add3A_12 = arith.addi %mul3A_2, %add3A_11 : i32
    "tpu.region"() ({
      %run_scoped3A = tpu.sem_alloc : memref<!tpu.dma_semaphore, #tpu.memory_space<semaphore_mem>>
      %dma_start3A = arith.constant 0 : i32
      %dma_start3A_38 = tpu.memref_slice %arg9[%add3A_12, %dma_start3A] : memref<10112x128xf32, #tpu.memory_space<vmem_shared>> -> memref<128x128xf32, #tpu.memory_space<vmem_shared>>
      %dma_start3A_39 = arith.constant 0 : i32
      %dma_start3A_40 = tpu.memref_slice %arg9[%add3A_12, %dma_start3A_39] : memref<10112x128xf32, #tpu.memory_space<vmem_shared>> -> memref<128x128xf32, #tpu.memory_space<vmem_shared>>
      tpu.enqueue_dma source(%arg8 : memref<128x128xf32, #tpu.memory_space<vmem>>) target(%dma_start3A_40 : memref<128x128xf32, #tpu.memory_space<vmem_shared>>) target_semaphore(%run_scoped3A : memref<!tpu.dma_semaphore, #tpu.memory_space<semaphore_mem>>)
      %dma_wait3A = arith.constant 0 : i32
      %dma_wait3A_41 = tpu.memref_slice %arg9[%add3A_12, %dma_wait3A] : memref<10112x128xf32, #tpu.memory_space<vmem_shared>> -> memref<128x128xf32, #tpu.memory_space<vmem_shared>>
      %dma_wait3A_42 = arith.constant 0 : i32
      %dma_wait3A_43 = tpu.memref_slice %arg9[%add3A_12, %dma_wait3A_42] : memref<10112x128xf32, #tpu.memory_space<vmem_shared>> -> memref<128x128xf32, #tpu.memory_space<vmem_shared>>
      tpu.wait_dma2 semaphore(%run_scoped3A : memref<!tpu.dma_semaphore, #tpu.memory_space<semaphore_mem>>) src(%arg8 : memref<128x128xf32, #tpu.memory_space<vmem>>) dst(%dma_wait3A_43 : memref<128x128xf32, #tpu.memory_space<vmem_shared>>)
      tpu.yield
    }) : () -> ()
    %add3A_13 = arith.constant 256 : i32
    %add3A_14 = arith.addi %mul3A_2, %add3A_13 : i32
    "tpu.region"() ({
      %run_scoped3A = tpu.sem_alloc : memref<!tpu.dma_semaphore, #tpu.memory_space<semaphore_mem>>
      %dma_start3A = arith.constant 0 : i32
      %dma_start3A_38 = tpu.memref_slice %arg9[%add3A_14, %dma_start3A] : memref<10112x128xf32, #tpu.memory_space<vmem_shared>> -> memref<128x128xf32, #tpu.memory_space<vmem_shared>>
      %dma_start3A_39 = arith.constant 0 : i32
      %dma_start3A_40 = tpu.memref_slice %arg9[%add3A_14, %dma_start3A_39] : memref<10112x128xf32, #tpu.memory_space<vmem_shared>> -> memref<128x128xf32, #tpu.memory_space<vmem_shared>>
      tpu.enqueue_dma source(%arg8 : memref<128x128xf32, #tpu.memory_space<vmem>>) target(%dma_start3A_40 : memref<128x128xf32, #tpu.memory_space<vmem_shared>>) target_semaphore(%run_scoped3A : memref<!tpu.dma_semaphore, #tpu.memory_space<semaphore_mem>>)
      %dma_wait3A = arith.constant 0 : i32
      %dma_wait3A_41 = tpu.memref_slice %arg9[%add3A_14, %dma_wait3A] : memref<10112x128xf32, #tpu.memory_space<vmem_shared>> -> memref<128x128xf32, #tpu.memory_space<vmem_shared>>
      %dma_wait3A_42 = arith.constant 0 : i32
      %dma_wait3A_43 = tpu.memref_slice %arg9[%add3A_14, %dma_wait3A_42] : memref<10112x128xf32, #tpu.memory_space<vmem_shared>> -> memref<128x128xf32, #tpu.memory_space<vmem_shared>>
      tpu.wait_dma2 semaphore(%run_scoped3A : memref<!tpu.dma_semaphore, #tpu.memory_space<semaphore_mem>>) src(%arg8 : memref<128x128xf32, #tpu.memory_space<vmem>>) dst(%dma_wait3A_43 : memref<128x128xf32, #tpu.memory_space<vmem_shared>>)
      tpu.yield
    }) : () -> ()
    %add3A_15 = arith.constant 384 : i32
    %add3A_16 = arith.addi %mul3A_2, %add3A_15 : i32
    "tpu.region"() ({
      %run_scoped3A = tpu.sem_alloc : memref<!tpu.dma_semaphore, #tpu.memory_space<semaphore_mem>>
      %dma_start3A = arith.constant 0 : i32
      %dma_start3A_38 = tpu.memref_slice %arg9[%add3A_16, %dma_start3A] : memref<10112x128xf32, #tpu.memory_space<vmem_shared>> -> memref<128x128xf32, #tpu.memory_space<vmem_shared>>
      %dma_start3A_39 = arith.constant 0 : i32
      %dma_start3A_40 = tpu.memref_slice %arg9[%add3A_16, %dma_start3A_39] : memref<10112x128xf32, #tpu.memory_space<vmem_shared>> -> memref<128x128xf32, #tpu.memory_space<vmem_shared>>
      tpu.enqueue_dma source(%arg8 : memref<128x128xf32, #tpu.memory_space<vmem>>) target(%dma_start3A_40 : memref<128x128xf32, #tpu.memory_space<vmem_shared>>) target_semaphore(%run_scoped3A : memref<!tpu.dma_semaphore, #tpu.memory_space<semaphore_mem>>)
      %dma_wait3A = arith.constant 0 : i32
      %dma_wait3A_41 = tpu.memref_slice %arg9[%add3A_16, %dma_wait3A] : memref<10112x128xf32, #tpu.memory_space<vmem_shared>> -> memref<128x128xf32, #tpu.memory_space<vmem_shared>>
      %dma_wait3A_42 = arith.constant 0 : i32
      %dma_wait3A_43 = tpu.memref_slice %arg9[%add3A_16, %dma_wait3A_42] : memref<10112x128xf32, #tpu.memory_space<vmem_shared>> -> memref<128x128xf32, #tpu.memory_space<vmem_shared>>
      tpu.wait_dma2 semaphore(%run_scoped3A : memref<!tpu.dma_semaphore, #tpu.memory_space<semaphore_mem>>) src(%arg8 : memref<128x128xf32, #tpu.memory_space<vmem>>) dst(%dma_wait3A_43 : memref<128x128xf32, #tpu.memory_space<vmem_shared>>)
      tpu.yield
    }) : () -> ()
    %add3A_17 = arith.constant 512 : i32
    %add3A_18 = arith.addi %mul3A_2, %add3A_17 : i32
    "tpu.region"() ({
      %run_scoped3A = tpu.sem_alloc : memref<!tpu.dma_semaphore, #tpu.memory_space<semaphore_mem>>
      %dma_start3A = arith.constant 0 : i32
      %dma_start3A_38 = arith.constant 0 : i32
      %dma_start3A_39 = tpu.memref_slice %arg8[%dma_start3A, %dma_start3A_38] : memref<128x128xf32, #tpu.memory_space<vmem>> -> memref<120x128xf32, #tpu.memory_space<vmem>>
      %dma_start3A_40 = arith.constant 0 : i32
      %dma_start3A_41 = tpu.memref_slice %arg9[%add3A_18, %dma_start3A_40] : memref<10112x128xf32, #tpu.memory_space<vmem_shared>> -> memref<120x128xf32, #tpu.memory_space<vmem_shared>>
      %dma_start3A_42 = arith.constant 0 : i32
      %dma_start3A_43 = tpu.memref_slice %arg9[%add3A_18, %dma_start3A_42] : memref<10112x128xf32, #tpu.memory_space<vmem_shared>> -> memref<120x128xf32, #tpu.memory_space<vmem_shared>>
      %dma_start3A_44 = arith.constant 0 : i32
      %dma_start3A_45 = arith.constant 0 : i32
      %dma_start3A_46 = tpu.memref_slice %arg8[%dma_start3A_44, %dma_start3A_45] : memref<128x128xf32, #tpu.memory_space<vmem>> -> memref<120x128xf32, #tpu.memory_space<vmem>>
      tpu.enqueue_dma source(%dma_start3A_46 : memref<120x128xf32, #tpu.memory_space<vmem>>) target(%dma_start3A_43 : memref<120x128xf32, #tpu.memory_space<vmem_shared>>) target_semaphore(%run_scoped3A : memref<!tpu.dma_semaphore, #tpu.memory_space<semaphore_mem>>)
      %dma_wait3A = arith.constant 0 : i32
      %dma_wait3A_47 = arith.constant 0 : i32
      %dma_wait3A_48 = tpu.memref_slice %arg8[%dma_wait3A, %dma_wait3A_47] : memref<128x128xf32, #tpu.memory_space<vmem>> -> memref<120x128xf32, #tpu.memory_space<vmem>>
      %dma_wait3A_49 = arith.constant 0 : i32
      %dma_wait3A_50 = tpu.memref_slice %arg9[%add3A_18, %dma_wait3A_49] : memref<10112x128xf32, #tpu.memory_space<vmem_shared>> -> memref<120x128xf32, #tpu.memory_space<vmem_shared>>
      %dma_wait3A_51 = arith.constant 0 : i32
      %dma_wait3A_52 = tpu.memref_slice %arg9[%add3A_18, %dma_wait3A_51] : memref<10112x128xf32, #tpu.memory_space<vmem_shared>> -> memref<120x128xf32, #tpu.memory_space<vmem_shared>>
      %dma_wait3A_53 = arith.constant 0 : i32
      %dma_wait3A_54 = arith.constant 0 : i32
      %dma_wait3A_55 = tpu.memref_slice %arg8[%dma_wait3A_53, %dma_wait3A_54] : memref<128x128xf32, #tpu.memory_space<vmem>> -> memref<120x128xf32, #tpu.memory_space<vmem>>
      tpu.wait_dma2 semaphore(%run_scoped3A : memref<!tpu.dma_semaphore, #tpu.memory_space<semaphore_mem>>) src(%dma_wait3A_55 : memref<120x128xf32, #tpu.memory_space<vmem>>) dst(%dma_wait3A_52 : memref<120x128xf32, #tpu.memory_space<vmem_shared>>)
      tpu.yield
    }) : () -> ()
    %barrier3A = arith.constant 0 : index
    tpu.barrier barrier_id(%barrier3A)
    %eq3A = arith.constant 0 : i32
    %eq3A_19 = arith.cmpi eq, %arg0, %eq3A : i32
    %jit3A = arith.constant 105 : i32
    %jit3A_20 = arith.constant 53 : i32
    %select_n3A = arith.select %eq3A_19, %jit3A, %jit3A_20 : i32
    %while3A = arith.constant 0 : i32
    %while3A_21 = arith.constant 0 : i32
    %while3A_22 = arith.subi %select_n3A, %while3A_21 : i32
    %while3A_23 = arith.addi %while3A_21, %while3A_22 : i32
    %while3A_24 = arith.constant 1 : i32
    %while3A_25 = arith.divsi %while3A_22, %while3A_24 : i32
    %while3A_26 = arith.muli %while3A_25, %while3A_24 : i32
    %while3A_27 = arith.addi %while3A_21, %while3A_26 : i32
    %while3A_28 = arith.constant 1 : i32
    scf.for %while3A_38 = %while3A_21 to %while3A_27 step %while3A_28  : i32 {
      %dma_start3A = arith.constant 0 : i32
      %dma_start3A_39 = tpu.memref_slice %arg6[%while3A_38, %dma_start3A] : memref<105x128xi32, #tpu.memory_space<vmem>> -> memref<1x128xi32, #tpu.memory_space<vmem>>
      %dma_start3A_40 = tpu.memref_squeeze %dma_start3A_39 : memref<1x128xi32, #tpu.memory_space<vmem>> -> memref<128xi32, #tpu.memory_space<vmem>>
      %dma_start3A_41 = arith.constant 0 : i32
      %dma_start3A_42 = arith.constant 0 : i32
      %dma_start3A_43 = tpu.memref_slice %arg2[%dma_start3A_41, %dma_start3A_42] : memref<10000x128xf32, #tpu.memory_space<hbm>> -> memref<10000x128xf32, #tpu.memory_space<hbm>>
      tpu.enqueue_indirect_dma source(%dma_start3A_43 : memref<10000x128xf32, #tpu.memory_space<hbm>>) target(%arg8 : memref<128x128xf32, #tpu.memory_space<vmem>>) offsets(%dma_start3A_40 : memref<128xi32, #tpu.memory_space<vmem>>) semaphore(%arg10 : memref<!tpu.dma_semaphore, #tpu.memory_space<semaphore_mem>>)
      %dma_wait3A = arith.constant 0 : i32
      %dma_wait3A_44 = tpu.memref_slice %arg6[%while3A_38, %dma_wait3A] : memref<105x128xi32, #tpu.memory_space<vmem>> -> memref<1x128xi32, #tpu.memory_space<vmem>>
      %dma_wait3A_45 = tpu.memref_squeeze %dma_wait3A_44 : memref<1x128xi32, #tpu.memory_space<vmem>> -> memref<128xi32, #tpu.memory_space<vmem>>
      %dma_wait3A_46 = arith.constant 0 : i32
      %dma_wait3A_47 = arith.constant 0 : i32
      %dma_wait3A_48 = tpu.memref_slice %arg2[%dma_wait3A_46, %dma_wait3A_47] : memref<10000x128xf32, #tpu.memory_space<hbm>> -> memref<10000x128xf32, #tpu.memory_space<hbm>>
      tpu.wait_indirect_dma semaphore(%arg10 : memref<!tpu.dma_semaphore, #tpu.memory_space<semaphore_mem>>) src(%dma_wait3A_48 : memref<10000x128xf32, #tpu.memory_space<hbm>>) dst(%arg8 : memref<128x128xf32, #tpu.memory_space<vmem>>)
      "tpu.region"() ({
        %run_scoped3A = tpu.sem_alloc : memref<!tpu.dma_semaphore, #tpu.memory_space<semaphore_mem>>
        %dma_start3A_49 = arith.constant 0 : i32
        %dma_start3A_50 = tpu.memref_slice %arg7[%while3A_38, %dma_start3A_49] : memref<105x128xi32, #tpu.memory_space<vmem>> -> memref<1x128xi32, #tpu.memory_space<vmem>>
        %dma_start3A_51 = tpu.memref_squeeze %dma_start3A_50 : memref<1x128xi32, #tpu.memory_space<vmem>> -> memref<128xi32, #tpu.memory_space<vmem>>
        %dma_start3A_52 = arith.constant 0 : i32
        %dma_start3A_53 = arith.constant 0 : i32
        %dma_start3A_54 = tpu.memref_slice %arg9[%dma_start3A_52, %dma_start3A_53] : memref<10112x128xf32, #tpu.memory_space<vmem_shared>> -> memref<10112x128xf32, #tpu.memory_space<vmem_shared>>
        tpu.enqueue_indirect_dma source(%arg8 : memref<128x128xf32, #tpu.memory_space<vmem>>) target(%dma_start3A_54 : memref<10112x128xf32, #tpu.memory_space<vmem_shared>>) offsets(%dma_start3A_51 : memref<128xi32, #tpu.memory_space<vmem>>) semaphore(%run_scoped3A : memref<!tpu.dma_semaphore, #tpu.memory_space<semaphore_mem>>) {add = true}
        %dma_wait3A_55 = arith.constant 0 : i32
        %dma_wait3A_56 = tpu.memref_slice %arg7[%while3A_38, %dma_wait3A_55] : memref<105x128xi32, #tpu.memory_space<vmem>> -> memref<1x128xi32, #tpu.memory_space<vmem>>
        %dma_wait3A_57 = tpu.memref_squeeze %dma_wait3A_56 : memref<1x128xi32, #tpu.memory_space<vmem>> -> memref<128xi32, #tpu.memory_space<vmem>>
        %dma_wait3A_58 = arith.constant 0 : i32
        %dma_wait3A_59 = arith.constant 0 : i32
        %dma_wait3A_60 = tpu.memref_slice %arg9[%dma_wait3A_58, %dma_wait3A_59] : memref<10112x128xf32, #tpu.memory_space<vmem_shared>> -> memref<10112x128xf32, #tpu.memory_space<vmem_shared>>
        tpu.wait_indirect_dma semaphore(%run_scoped3A : memref<!tpu.dma_semaphore, #tpu.memory_space<semaphore_mem>>) src(%arg8 : memref<128x128xf32, #tpu.memory_space<vmem>>) dst(%dma_wait3A_60 : memref<10112x128xf32, #tpu.memory_space<vmem_shared>>)
        tpu.yield
      }) : () -> ()
    }
    %while3A_29 = arith.constant 1 : i32
    scf.for %while3A_38 = %while3A_27 to %while3A_23 step %while3A_29  : i32 {
      %dma_start3A = arith.constant 0 : i32
      %dma_start3A_39 = tpu.memref_slice %arg6[%while3A_38, %dma_start3A] : memref<105x128xi32, #tpu.memory_space<vmem>> -> memref<1x128xi32, #tpu.memory_space<vmem>>
      %dma_start3A_40 = tpu.memref_squeeze %dma_start3A_39 : memref<1x128xi32, #tpu.memory_space<vmem>> -> memref<128xi32, #tpu.memory_space<vmem>>
      %dma_start3A_41 = arith.constant 0 : i32
      %dma_start3A_42 = arith.constant 0 : i32
      %dma_start3A_43 = tpu.memref_slice %arg2[%dma_start3A_41, %dma_start3A_42] : memref<10000x128xf32, #tpu.memory_space<hbm>> -> memref<10000x128xf32, #tpu.memory_space<hbm>>
      tpu.enqueue_indirect_dma source(%dma_start3A_43 : memref<10000x128xf32, #tpu.memory_space<hbm>>) target(%arg8 : memref<128x128xf32, #tpu.memory_space<vmem>>) offsets(%dma_start3A_40 : memref<128xi32, #tpu.memory_space<vmem>>) semaphore(%arg10 : memref<!tpu.dma_semaphore, #tpu.memory_space<semaphore_mem>>)
      %dma_wait3A = arith.constant 0 : i32
      %dma_wait3A_44 = tpu.memref_slice %arg6[%while3A_38, %dma_wait3A] : memref<105x128xi32, #tpu.memory_space<vmem>> -> memref<1x128xi32, #tpu.memory_space<vmem>>
      %dma_wait3A_45 = tpu.memref_squeeze %dma_wait3A_44 : memref<1x128xi32, #tpu.memory_space<vmem>> -> memref<128xi32, #tpu.memory_space<vmem>>
      %dma_wait3A_46 = arith.constant 0 : i32
      %dma_wait3A_47 = arith.constant 0 : i32
      %dma_wait3A_48 = tpu.memref_slice %arg2[%dma_wait3A_46, %dma_wait3A_47] : memref<10000x128xf32, #tpu.memory_space<hbm>> -> memref<10000x128xf32, #tpu.memory_space<hbm>>
      tpu.wait_indirect_dma semaphore(%arg10 : memref<!tpu.dma_semaphore, #tpu.memory_space<semaphore_mem>>) src(%dma_wait3A_48 : memref<10000x128xf32, #tpu.memory_space<hbm>>) dst(%arg8 : memref<128x128xf32, #tpu.memory_space<vmem>>)
      "tpu.region"() ({
        %run_scoped3A = tpu.sem_alloc : memref<!tpu.dma_semaphore, #tpu.memory_space<semaphore_mem>>
        %dma_start3A_49 = arith.constant 0 : i32
        %dma_start3A_50 = tpu.memref_slice %arg7[%while3A_38, %dma_start3A_49] : memref<105x128xi32, #tpu.memory_space<vmem>> -> memref<1x128xi32, #tpu.memory_space<vmem>>
        %dma_start3A_51 = tpu.memref_squeeze %dma_start3A_50 : memref<1x128xi32, #tpu.memory_space<vmem>> -> memref<128xi32, #tpu.memory_space<vmem>>
        %dma_start3A_52 = arith.constant 0 : i32
        %dma_start3A_53 = arith.constant 0 : i32
        %dma_start3A_54 = tpu.memref_slice %arg9[%dma_start3A_52, %dma_start3A_53] : memref<10112x128xf32, #tpu.memory_space<vmem_shared>> -> memref<10112x128xf32, #tpu.memory_space<vmem_shared>>
        tpu.enqueue_indirect_dma source(%arg8 : memref<128x128xf32, #tpu.memory_space<vmem>>) target(%dma_start3A_54 : memref<10112x128xf32, #tpu.memory_space<vmem_shared>>) offsets(%dma_start3A_51 : memref<128xi32, #tpu.memory_space<vmem>>) semaphore(%run_scoped3A : memref<!tpu.dma_semaphore, #tpu.memory_space<semaphore_mem>>) {add = true}
        %dma_wait3A_55 = arith.constant 0 : i32
        %dma_wait3A_56 = tpu.memref_slice %arg7[%while3A_38, %dma_wait3A_55] : memref<105x128xi32, #tpu.memory_space<vmem>> -> memref<1x128xi32, #tpu.memory_space<vmem>>
        %dma_wait3A_57 = tpu.memref_squeeze %dma_wait3A_56 : memref<1x128xi32, #tpu.memory_space<vmem>> -> memref<128xi32, #tpu.memory_space<vmem>>
        %dma_wait3A_58 = arith.constant 0 : i32
        %dma_wait3A_59 = arith.constant 0 : i32
        %dma_wait3A_60 = tpu.memref_slice %arg9[%dma_wait3A_58, %dma_wait3A_59] : memref<10112x128xf32, #tpu.memory_space<vmem_shared>> -> memref<10112x128xf32, #tpu.memory_space<vmem_shared>>
        tpu.wait_indirect_dma semaphore(%run_scoped3A : memref<!tpu.dma_semaphore, #tpu.memory_space<semaphore_mem>>) src(%arg8 : memref<128x128xf32, #tpu.memory_space<vmem>>) dst(%dma_wait3A_60 : memref<10112x128xf32, #tpu.memory_space<vmem_shared>>)
        tpu.yield
      }) : () -> ()
    }
    %barrier3A_30 = arith.constant 0 : index
    tpu.barrier barrier_id(%barrier3A_30)
    %lt3A = arith.constant 15 : i32
    %lt3A_31 = arith.cmpi slt, %arg1, %lt3A : i32
    %convert_element_type3A = arith.extui %lt3A_31 : i1 to i32
    %cond3A = arith.constant 0 : i32
    %cond3A_32 = arith.cmpi ne, %convert_element_type3A, %cond3A : i32
    scf.if %cond3A_32 {
      "tpu.region"() ({
        %run_scoped3A = tpu.sem_alloc : memref<!tpu.dma_semaphore, #tpu.memory_space<semaphore_mem>>
        %dma_start3A = arith.constant 0 : i32
        %dma_start3A_38 = tpu.memref_slice %arg5[%arg0, %mul3A_2, %dma_start3A] : memref<2x10000x128xf32, #tpu.memory_space<hbm>> -> memref<1x632x128xf32, #tpu.memory_space<hbm>>
        %dma_start3A_39 = tpu.memref_squeeze %dma_start3A_38 : memref<1x632x128xf32, #tpu.memory_space<hbm>> -> memref<632x128xf32, #tpu.memory_space<hbm>>
        %dma_start3A_40 = arith.constant 0 : i32
        %dma_start3A_41 = tpu.memref_slice %arg9[%mul3A_2, %dma_start3A_40] : memref<10112x128xf32, #tpu.memory_space<vmem_shared>> -> memref<632x128xf32, #tpu.memory_space<vmem_shared>>
        tpu.enqueue_dma source(%dma_start3A_41 : memref<632x128xf32, #tpu.memory_space<vmem_shared>>) target(%dma_start3A_39 : memref<632x128xf32, #tpu.memory_space<hbm>>) target_semaphore(%run_scoped3A : memref<!tpu.dma_semaphore, #tpu.memory_space<semaphore_mem>>)
        %dma_wait3A = arith.constant 0 : i32
        %dma_wait3A_42 = tpu.memref_slice %arg5[%arg0, %mul3A_2, %dma_wait3A] : memref<2x10000x128xf32, #tpu.memory_space<hbm>> -> memref<1x632x128xf32, #tpu.memory_space<hbm>>
        %dma_wait3A_43 = tpu.memref_squeeze %dma_wait3A_42 : memref<1x632x128xf32, #tpu.memory_space<hbm>> -> memref<632x128xf32, #tpu.memory_space<hbm>>
        %dma_wait3A_44 = arith.constant 0 : i32
        %dma_wait3A_45 = tpu.memref_slice %arg9[%mul3A_2, %dma_wait3A_44] : memref<10112x128xf32, #tpu.memory_space<vmem_shared>> -> memref<632x128xf32, #tpu.memory_space<vmem_shared>>
        tpu.wait_dma2 semaphore(%run_scoped3A : memref<!tpu.dma_semaphore, #tpu.memory_space<semaphore_mem>>) src(%dma_wait3A_45 : memref<632x128xf32, #tpu.memory_space<vmem_shared>>) dst(%dma_wait3A_43 : memref<632x128xf32, #tpu.memory_space<hbm>>)
        tpu.yield
      }) : () -> ()
    } else {
    }
    %eq3A_33 = arith.constant 15 : i32
    %eq3A_34 = arith.cmpi eq, %arg1, %eq3A_33 : i32
    %convert_element_type3A_35 = arith.extui %eq3A_34 : i1 to i32
    %cond3A_36 = arith.constant 0 : i32
    %cond3A_37 = arith.cmpi ne, %convert_element_type3A_35, %cond3A_36 : i32
    scf.if %cond3A_37 {
      "tpu.region"() ({
        %run_scoped3A = tpu.sem_alloc : memref<!tpu.dma_semaphore, #tpu.memory_space<semaphore_mem>>
        %dma_start3A = arith.constant 0 : i32
        %dma_start3A_38 = tpu.memref_slice %arg5[%arg0, %mul3A_2, %dma_start3A] : memref<2x10000x128xf32, #tpu.memory_space<hbm>> -> memref<1x520x128xf32, #tpu.memory_space<hbm>>
        %dma_start3A_39 = tpu.memref_squeeze %dma_start3A_38 : memref<1x520x128xf32, #tpu.memory_space<hbm>> -> memref<520x128xf32, #tpu.memory_space<hbm>>
        %dma_start3A_40 = arith.constant 0 : i32
        %dma_start3A_41 = tpu.memref_slice %arg9[%mul3A_2, %dma_start3A_40] : memref<10112x128xf32, #tpu.memory_space<vmem_shared>> -> memref<520x128xf32, #tpu.memory_space<vmem_shared>>
        tpu.enqueue_dma source(%dma_start3A_41 : memref<520x128xf32, #tpu.memory_space<vmem_shared>>) target(%dma_start3A_39 : memref<520x128xf32, #tpu.memory_space<hbm>>) target_semaphore(%run_scoped3A : memref<!tpu.dma_semaphore, #tpu.memory_space<semaphore_mem>>)
        %dma_wait3A = arith.constant 0 : i32
        %dma_wait3A_42 = tpu.memref_slice %arg5[%arg0, %mul3A_2, %dma_wait3A] : memref<2x10000x128xf32, #tpu.memory_space<hbm>> -> memref<1x520x128xf32, #tpu.memory_space<hbm>>
        %dma_wait3A_43 = tpu.memref_squeeze %dma_wait3A_42 : memref<1x520x128xf32, #tpu.memory_space<hbm>> -> memref<520x128xf32, #tpu.memory_space<hbm>>
        %dma_wait3A_44 = arith.constant 0 : i32
        %dma_wait3A_45 = tpu.memref_slice %arg9[%mul3A_2, %dma_wait3A_44] : memref<10112x128xf32, #tpu.memory_space<vmem_shared>> -> memref<520x128xf32, #tpu.memory_space<vmem_shared>>
        tpu.wait_dma2 semaphore(%run_scoped3A : memref<!tpu.dma_semaphore, #tpu.memory_space<semaphore_mem>>) src(%dma_wait3A_45 : memref<520x128xf32, #tpu.memory_space<vmem_shared>>) dst(%dma_wait3A_43 : memref<520x128xf32, #tpu.memory_space<hbm>>)
        tpu.yield
      }) : () -> ()
    } else {
    }
    return
  }
}

#map = affine_map<(d0, d1) -> (0, 0)>
module attributes {stable_mosaic.version = 14 : i64} {
  func.func @_deg_kernel(%arg0: i32, %arg1: i32, %arg2: memref<32x10240xi32, #tpu.memory_space<hbm>>, %arg3: memref<32x10240xf32, #tpu.memory_space<hbm>>, %arg4: memref<10240xi32, #tpu.memory_space<vmem>>, %arg5: memref<10240xf32, #tpu.memory_space<vmem>>) attributes {dimension_semantics = [#tpu.dimension_semantics<core_parallel>, #tpu.dimension_semantics<subcore_parallel>], iteration_bounds = array<i64: 2, 16>, scalar_prefetch = 0 : i64, scratch_operands = 2 : i64, tpu.core_type = #tpu.core_type<sc_vector_subcore>, window_params = [{transform_indices = #map}, {transform_indices = #map}]} {
    %mul3A = arith.constant 16 : i32
    %mul3A_0 = arith.muli %arg0, %mul3A : i32
    %add3A = arith.addi %mul3A_0, %arg1 : i32
    "tpu.region"() ({
      %run_scoped3A = tpu.sem_alloc : memref<!tpu.dma_semaphore, #tpu.memory_space<semaphore_mem>>
      %dma_start3A = arith.constant 0 : i32
      %dma_start3A_15 = tpu.memref_slice %arg2[%add3A, %dma_start3A] : memref<32x10240xi32, #tpu.memory_space<hbm>> -> memref<1x10240xi32, #tpu.memory_space<hbm>>
      %dma_start3A_16 = tpu.memref_squeeze %dma_start3A_15 : memref<1x10240xi32, #tpu.memory_space<hbm>> -> memref<10240xi32, #tpu.memory_space<hbm>>
      %dma_start3A_17 = arith.constant 0 : i32
      %dma_start3A_18 = tpu.memref_slice %arg2[%add3A, %dma_start3A_17] : memref<32x10240xi32, #tpu.memory_space<hbm>> -> memref<1x10240xi32, #tpu.memory_space<hbm>>
      %dma_start3A_19 = tpu.memref_squeeze %dma_start3A_18 : memref<1x10240xi32, #tpu.memory_space<hbm>> -> memref<10240xi32, #tpu.memory_space<hbm>>
      tpu.enqueue_dma source(%dma_start3A_19 : memref<10240xi32, #tpu.memory_space<hbm>>) target(%arg4 : memref<10240xi32, #tpu.memory_space<vmem>>) target_semaphore(%run_scoped3A : memref<!tpu.dma_semaphore, #tpu.memory_space<semaphore_mem>>)
      %dma_wait3A = arith.constant 0 : i32
      %dma_wait3A_20 = tpu.memref_slice %arg2[%add3A, %dma_wait3A] : memref<32x10240xi32, #tpu.memory_space<hbm>> -> memref<1x10240xi32, #tpu.memory_space<hbm>>
      %dma_wait3A_21 = tpu.memref_squeeze %dma_wait3A_20 : memref<1x10240xi32, #tpu.memory_space<hbm>> -> memref<10240xi32, #tpu.memory_space<hbm>>
      %dma_wait3A_22 = arith.constant 0 : i32
      %dma_wait3A_23 = tpu.memref_slice %arg2[%add3A, %dma_wait3A_22] : memref<32x10240xi32, #tpu.memory_space<hbm>> -> memref<1x10240xi32, #tpu.memory_space<hbm>>
      %dma_wait3A_24 = tpu.memref_squeeze %dma_wait3A_23 : memref<1x10240xi32, #tpu.memory_space<hbm>> -> memref<10240xi32, #tpu.memory_space<hbm>>
      tpu.wait_dma2 semaphore(%run_scoped3A : memref<!tpu.dma_semaphore, #tpu.memory_space<semaphore_mem>>) src(%dma_wait3A_24 : memref<10240xi32, #tpu.memory_space<hbm>>) dst(%arg4 : memref<10240xi32, #tpu.memory_space<vmem>>)
      tpu.yield
    }) : () -> ()
    %broadcast_in_dim3A = arith.constant 0.000000e+00 : f32
    %broadcast_in_dim3A_1 = vector.broadcast %broadcast_in_dim3A : f32 to vector<16xf32>
    %scan3A = arith.constant 0 : i32
    %scan3A_2 = arith.constant 0 : i32
    %scan3A_3 = arith.constant 640 : i32
    %scan3A_4 = arith.addi %scan3A_2, %scan3A_3 : i32
    %scan3A_5 = arith.constant 1 : i32
    scf.for %scan3A_15 = %scan3A_2 to %scan3A_4 step %scan3A_5  : i32 {
      %mul3A_16 = arith.constant 16 : i32
      %mul3A_17 = arith.muli %scan3A_15, %mul3A_16 : i32
      %swap3A = arith.index_cast %mul3A_17 : i32 to index
      %swap3A_18 = tpu.vector_load %arg5[%swap3A] {strides = array<i32>} : memref<10240xf32, #tpu.memory_space<vmem>>, vector<16xf32>,
      tpu.vector_store %arg5[%swap3A], %broadcast_in_dim3A_1 {strides = array<i32>} : memref<10240xf32, #tpu.memory_space<vmem>>, vector<16xf32>,
    }
    %scan3A_6 = arith.constant 640 : i32
    %broadcast_in_dim3A_7 = arith.constant 1.000000e+00 : f32
    %broadcast_in_dim3A_8 = vector.broadcast %broadcast_in_dim3A_7 : f32 to vector<16xf32>
    %scan3A_9 = arith.constant 0 : i32
    %scan3A_10 = arith.constant 0 : i32
    %scan3A_11 = arith.constant 640 : i32
    %scan3A_12 = arith.addi %scan3A_10, %scan3A_11 : i32
    %scan3A_13 = arith.constant 1 : i32
    scf.for %scan3A_15 = %scan3A_10 to %scan3A_12 step %scan3A_13  : i32 {
      %mul3A_16 = arith.constant 16 : i32
      %mul3A_17 = arith.muli %scan3A_15, %mul3A_16 : i32
      %get3A = arith.index_cast %mul3A_17 : i32 to index
      %get3A_18 = tpu.vector_load %arg4[%get3A] {strides = array<i32>} : memref<10240xi32, #tpu.memory_space<vmem>>, vector<16xi32>,
      tpu.vector_store_idx %arg5[%get3A_18], %broadcast_in_dim3A_8 {add = true} : memref<10240xf32, #tpu.memory_space<vmem>>[vector<16xi32>], vector<16xf32>,
    }
    %scan3A_14 = arith.constant 640 : i32
    "tpu.region"() ({
      %run_scoped3A = tpu.sem_alloc : memref<!tpu.dma_semaphore, #tpu.memory_space<semaphore_mem>>
      %dma_start3A = arith.constant 0 : i32
      %dma_start3A_15 = tpu.memref_slice %arg3[%add3A, %dma_start3A] : memref<32x10240xf32, #tpu.memory_space<hbm>> -> memref<1x10240xf32, #tpu.memory_space<hbm>>
      %dma_start3A_16 = tpu.memref_squeeze %dma_start3A_15 : memref<1x10240xf32, #tpu.memory_space<hbm>> -> memref<10240xf32, #tpu.memory_space<hbm>>
      %dma_start3A_17 = arith.constant 0 : i32
      %dma_start3A_18 = tpu.memref_slice %arg3[%add3A, %dma_start3A_17] : memref<32x10240xf32, #tpu.memory_space<hbm>> -> memref<1x10240xf32, #tpu.memory_space<hbm>>
      %dma_start3A_19 = tpu.memref_squeeze %dma_start3A_18 : memref<1x10240xf32, #tpu.memory_space<hbm>> -> memref<10240xf32, #tpu.memory_space<hbm>>
      tpu.enqueue_dma source(%arg5 : memref<10240xf32, #tpu.memory_space<vmem>>) target(%dma_start3A_19 : memref<10240xf32, #tpu.memory_space<hbm>>) target_semaphore(%run_scoped3A : memref<!tpu.dma_semaphore, #tpu.memory_space<semaphore_mem>>)
      %dma_wait3A = arith.constant 0 : i32
      %dma_wait3A_20 = tpu.memref_slice %arg3[%add3A, %dma_wait3A] : memref<32x10240xf32, #tpu.memory_space<hbm>> -> memref<1x10240xf32, #tpu.memory_space<hbm>>
      %dma_wait3A_21 = tpu.memref_squeeze %dma_wait3A_20 : memref<1x10240xf32, #tpu.memory_space<hbm>> -> memref<10240xf32, #tpu.memory_space<hbm>>
      %dma_wait3A_22 = arith.constant 0 : i32
      %dma_wait3A_23 = tpu.memref_slice %arg3[%add3A, %dma_wait3A_22] : memref<32x10240xf32, #tpu.memory_space<hbm>> -> memref<1x10240xf32, #tpu.memory_space<hbm>>
      %dma_wait3A_24 = tpu.memref_squeeze %dma_wait3A_23 : memref<1x10240xf32, #tpu.memory_space<hbm>> -> memref<10240xf32, #tpu.memory_space<hbm>>
      tpu.wait_dma2 semaphore(%run_scoped3A : memref<!tpu.dma_semaphore, #tpu.memory_space<semaphore_mem>>) src(%arg5 : memref<10240xf32, #tpu.memory_space<vmem>>) dst(%dma_wait3A_24 : memref<10240xf32, #tpu.memory_space<hbm>>)
      tpu.yield
    }) : () -> ()
    return
  }
}

#map = affine_map<(d0, d1) -> (0, 0)>
#map1 = affine_map<(d0, d1) -> (0, 0, 0)>
module attributes {stable_mosaic.version = 14 : i64} {
  func.func @_agg_kernel(%arg0: i32, %arg1: i32, %arg2: memref<10000x128xf32, #tpu.memory_space<hbm>>, %arg3: memref<32x105x128xi32, #tpu.memory_space<hbm>>, %arg4: memref<32x105x128xi32, #tpu.memory_space<hbm>>, %arg5: memref<2x10000x128xf32, #tpu.memory_space<hbm>>, %arg6: memref<105x128xi32, #tpu.memory_space<vmem>>, %arg7: memref<105x128xi32, #tpu.memory_space<vmem>>, %arg8: memref<128x128xf32, #tpu.memory_space<vmem>>, %arg9: memref<10112x128xf32, #tpu.memory_space<vmem_shared>>, %arg10: memref<!tpu.dma_semaphore, #tpu.memory_space<semaphore_mem>>) attributes {dimension_semantics = [#tpu.dimension_semantics<core_parallel>, #tpu.dimension_semantics<subcore_parallel>], iteration_bounds = array<i64: 2, 16>, scalar_prefetch = 0 : i64, scratch_operands = 5 : i64, tpu.core_type = #tpu.core_type<sc_vector_subcore>, window_params = [{transform_indices = #map}, {transform_indices = #map1}, {transform_indices = #map1}, {transform_indices = #map1}]} {
    %mul3A = arith.constant 16 : i32
    %mul3A_0 = arith.muli %arg0, %mul3A : i32
    %add3A = arith.addi %mul3A_0, %arg1 : i32
    %mul3A_1 = arith.constant 632 : i32
    %mul3A_2 = arith.muli %arg1, %mul3A_1 : i32
    "tpu.region"() ({
      %run_scoped3A = tpu.sem_alloc : memref<!tpu.dma_semaphore, #tpu.memory_space<semaphore_mem>>
      %dma_start3A = arith.constant 0 : i32
      %dma_start3A_38 = arith.constant 0 : i32
      %dma_start3A_39 = tpu.memref_slice %arg3[%add3A, %dma_start3A, %dma_start3A_38] : memref<32x105x128xi32, #tpu.memory_space<hbm>> -> memref<1x105x128xi32, #tpu.memory_space<hbm>>
      %dma_start3A_40 = tpu.memref_squeeze %dma_start3A_39 : memref<1x105x128xi32, #tpu.memory_space<hbm>> -> memref<105x128xi32, #tpu.memory_space<hbm>>
      %dma_start3A_41 = arith.constant 0 : i32
      %dma_start3A_42 = arith.constant 0 : i32
      %dma_start3A_43 = tpu.memref_slice %arg3[%add3A, %dma_start3A_41, %dma_start3A_42] : memref<32x105x128xi32, #tpu.memory_space<hbm>> -> memref<1x105x128xi32, #tpu.memory_space<hbm>>
      %dma_start3A_44 = tpu.memref_squeeze %dma_start3A_43 : memref<1x105x128xi32, #tpu.memory_space<hbm>> -> memref<105x128xi32, #tpu.memory_space<hbm>>
      tpu.enqueue_dma source(%dma_start3A_44 : memref<105x128xi32, #tpu.memory_space<hbm>>) target(%arg6 : memref<105x128xi32, #tpu.memory_space<vmem>>) target_semaphore(%run_scoped3A : memref<!tpu.dma_semaphore, #tpu.memory_space<semaphore_mem>>)
      %dma_wait3A = arith.constant 0 : i32
      %dma_wait3A_45 = arith.constant 0 : i32
      %dma_wait3A_46 = tpu.memref_slice %arg3[%add3A, %dma_wait3A, %dma_wait3A_45] : memref<32x105x128xi32, #tpu.memory_space<hbm>> -> memref<1x105x128xi32, #tpu.memory_space<hbm>>
      %dma_wait3A_47 = tpu.memref_squeeze %dma_wait3A_46 : memref<1x105x128xi32, #tpu.memory_space<hbm>> -> memref<105x128xi32, #tpu.memory_space<hbm>>
      %dma_wait3A_48 = arith.constant 0 : i32
      %dma_wait3A_49 = arith.constant 0 : i32
      %dma_wait3A_50 = tpu.memref_slice %arg3[%add3A, %dma_wait3A_48, %dma_wait3A_49] : memref<32x105x128xi32, #tpu.memory_space<hbm>> -> memref<1x105x128xi32, #tpu.memory_space<hbm>>
      %dma_wait3A_51 = tpu.memref_squeeze %dma_wait3A_50 : memref<1x105x128xi32, #tpu.memory_space<hbm>> -> memref<105x128xi32, #tpu.memory_space<hbm>>
      tpu.wait_dma2 semaphore(%run_scoped3A : memref<!tpu.dma_semaphore, #tpu.memory_space<semaphore_mem>>) src(%dma_wait3A_51 : memref<105x128xi32, #tpu.memory_space<hbm>>) dst(%arg6 : memref<105x128xi32, #tpu.memory_space<vmem>>)
      tpu.yield
    }) : () -> ()
    "tpu.region"() ({
      %run_scoped3A = tpu.sem_alloc : memref<!tpu.dma_semaphore, #tpu.memory_space<semaphore_mem>>
      %dma_start3A = arith.constant 0 : i32
      %dma_start3A_38 = arith.constant 0 : i32
      %dma_start3A_39 = tpu.memref_slice %arg4[%add3A, %dma_start3A, %dma_start3A_38] : memref<32x105x128xi32, #tpu.memory_space<hbm>> -> memref<1x105x128xi32, #tpu.memory_space<hbm>>
      %dma_start3A_40 = tpu.memref_squeeze %dma_start3A_39 : memref<1x105x128xi32, #tpu.memory_space<hbm>> -> memref<105x128xi32, #tpu.memory_space<hbm>>
      %dma_start3A_41 = arith.constant 0 : i32
      %dma_start3A_42 = arith.constant 0 : i32
      %dma_start3A_43 = tpu.memref_slice %arg4[%add3A, %dma_start3A_41, %dma_start3A_42] : memref<32x105x128xi32, #tpu.memory_space<hbm>> -> memref<1x105x128xi32, #tpu.memory_space<hbm>>
      %dma_start3A_44 = tpu.memref_squeeze %dma_start3A_43 : memref<1x105x128xi32, #tpu.memory_space<hbm>> -> memref<105x128xi32, #tpu.memory_space<hbm>>
      tpu.enqueue_dma source(%dma_start3A_44 : memref<105x128xi32, #tpu.memory_space<hbm>>) target(%arg7 : memref<105x128xi32, #tpu.memory_space<vmem>>) target_semaphore(%run_scoped3A : memref<!tpu.dma_semaphore, #tpu.memory_space<semaphore_mem>>)
      %dma_wait3A = arith.constant 0 : i32
      %dma_wait3A_45 = arith.constant 0 : i32
      %dma_wait3A_46 = tpu.memref_slice %arg4[%add3A, %dma_wait3A, %dma_wait3A_45] : memref<32x105x128xi32, #tpu.memory_space<hbm>> -> memref<1x105x128xi32, #tpu.memory_space<hbm>>
      %dma_wait3A_47 = tpu.memref_squeeze %dma_wait3A_46 : memref<1x105x128xi32, #tpu.memory_space<hbm>> -> memref<105x128xi32, #tpu.memory_space<hbm>>
      %dma_wait3A_48 = arith.constant 0 : i32
      %dma_wait3A_49 = arith.constant 0 : i32
      %dma_wait3A_50 = tpu.memref_slice %arg4[%add3A, %dma_wait3A_48, %dma_wait3A_49] : memref<32x105x128xi32, #tpu.memory_space<hbm>> -> memref<1x105x128xi32, #tpu.memory_space<hbm>>
      %dma_wait3A_51 = tpu.memref_squeeze %dma_wait3A_50 : memref<1x105x128xi32, #tpu.memory_space<hbm>> -> memref<105x128xi32, #tpu.memory_space<hbm>>
      tpu.wait_dma2 semaphore(%run_scoped3A : memref<!tpu.dma_semaphore, #tpu.memory_space<semaphore_mem>>) src(%dma_wait3A_51 : memref<105x128xi32, #tpu.memory_space<hbm>>) dst(%arg7 : memref<105x128xi32, #tpu.memory_space<vmem>>)
      tpu.yield
    }) : () -> ()
    %broadcast_in_dim3A = arith.constant 0.000000e+00 : f32
    %broadcast_in_dim3A_3 = vector.broadcast %broadcast_in_dim3A : f32 to vector<16xf32>
    %scan3A = arith.constant 0 : i32
    %scan3A_4 = arith.constant 0 : i32
    %scan3A_5 = arith.constant 128 : i32
    %scan3A_6 = arith.addi %scan3A_4, %scan3A_5 : i32
    %scan3A_7 = arith.constant 1 : i32
    scf.for %scan3A_38 = %scan3A_4 to %scan3A_6 step %scan3A_7  : i32 {
      %swap3A = arith.index_cast %scan3A_38 : i32 to index
      %swap3A_39 = arith.constant 0 : index
      %swap3A_40 = tpu.vector_load %arg8[%swap3A, %swap3A_39] {strides = array<i32>} : memref<128x128xf32, #tpu.memory_space<vmem>>, vector<16xf32>,
      tpu.vector_store %arg8[%swap3A, %swap3A_39], %broadcast_in_dim3A_3 {strides = array<i32>} : memref<128x128xf32, #tpu.memory_space<vmem>>, vector<16xf32>,
      %swap3A_41 = arith.index_cast %scan3A_38 : i32 to index
      %swap3A_42 = arith.constant 16 : index
      %swap3A_43 = tpu.vector_load %arg8[%swap3A_41, %swap3A_42] {strides = array<i32>} : memref<128x128xf32, #tpu.memory_space<vmem>>, vector<16xf32>,
      tpu.vector_store %arg8[%swap3A_41, %swap3A_42], %broadcast_in_dim3A_3 {strides = array<i32>} : memref<128x128xf32, #tpu.memory_space<vmem>>, vector<16xf32>,
      %swap3A_44 = arith.index_cast %scan3A_38 : i32 to index
      %swap3A_45 = arith.constant 32 : index
      %swap3A_46 = tpu.vector_load %arg8[%swap3A_44, %swap3A_45] {strides = array<i32>} : memref<128x128xf32, #tpu.memory_space<vmem>>, vector<16xf32>,
      tpu.vector_store %arg8[%swap3A_44, %swap3A_45], %broadcast_in_dim3A_3 {strides = array<i32>} : memref<128x128xf32, #tpu.memory_space<vmem>>, vector<16xf32>,
      %swap3A_47 = arith.index_cast %scan3A_38 : i32 to index
      %swap3A_48 = arith.constant 48 : index
      %swap3A_49 = tpu.vector_load %arg8[%swap3A_47, %swap3A_48] {strides = array<i32>} : memref<128x128xf32, #tpu.memory_space<vmem>>, vector<16xf32>,
      tpu.vector_store %arg8[%swap3A_47, %swap3A_48], %broadcast_in_dim3A_3 {strides = array<i32>} : memref<128x128xf32, #tpu.memory_space<vmem>>, vector<16xf32>,
      %swap3A_50 = arith.index_cast %scan3A_38 : i32 to index
      %swap3A_51 = arith.constant 64 : index
      %swap3A_52 = tpu.vector_load %arg8[%swap3A_50, %swap3A_51] {strides = array<i32>} : memref<128x128xf32, #tpu.memory_space<vmem>>, vector<16xf32>,
      tpu.vector_store %arg8[%swap3A_50, %swap3A_51], %broadcast_in_dim3A_3 {strides = array<i32>} : memref<128x128xf32, #tpu.memory_space<vmem>>, vector<16xf32>,
      %swap3A_53 = arith.index_cast %scan3A_38 : i32 to index
      %swap3A_54 = arith.constant 80 : index
      %swap3A_55 = tpu.vector_load %arg8[%swap3A_53, %swap3A_54] {strides = array<i32>} : memref<128x128xf32, #tpu.memory_space<vmem>>, vector<16xf32>,
      tpu.vector_store %arg8[%swap3A_53, %swap3A_54], %broadcast_in_dim3A_3 {strides = array<i32>} : memref<128x128xf32, #tpu.memory_space<vmem>>, vector<16xf32>,
      %swap3A_56 = arith.index_cast %scan3A_38 : i32 to index
      %swap3A_57 = arith.constant 96 : index
      %swap3A_58 = tpu.vector_load %arg8[%swap3A_56, %swap3A_57] {strides = array<i32>} : memref<128x128xf32, #tpu.memory_space<vmem>>, vector<16xf32>,
      tpu.vector_store %arg8[%swap3A_56, %swap3A_57], %broadcast_in_dim3A_3 {strides = array<i32>} : memref<128x128xf32, #tpu.memory_space<vmem>>, vector<16xf32>,
      %swap3A_59 = arith.index_cast %scan3A_38 : i32 to index
      %swap3A_60 = arith.constant 112 : index
      %swap3A_61 = tpu.vector_load %arg8[%swap3A_59, %swap3A_60] {strides = array<i32>} : memref<128x128xf32, #tpu.memory_space<vmem>>, vector<16xf32>,
      tpu.vector_store %arg8[%swap3A_59, %swap3A_60], %broadcast_in_dim3A_3 {strides = array<i32>} : memref<128x128xf32, #tpu.memory_space<vmem>>, vector<16xf32>,
    }
    %scan3A_8 = arith.constant 128 : i32
    %add3A_9 = arith.constant 0 : i32
    %add3A_10 = arith.addi %mul3A_2, %add3A_9 : i32
    "tpu.region"() ({
      %run_scoped3A = tpu.sem_alloc : memref<!tpu.dma_semaphore, #tpu.memory_space<semaphore_mem>>
      %dma_start3A = arith.constant 0 : i32
      %dma_start3A_38 = tpu.memref_slice %arg9[%add3A_10, %dma_start3A] : memref<10112x128xf32, #tpu.memory_space<vmem_shared>> -> memref<128x128xf32, #tpu.memory_space<vmem_shared>>
      %dma_start3A_39 = arith.constant 0 : i32
      %dma_start3A_40 = tpu.memref_slice %arg9[%add3A_10, %dma_start3A_39] : memref<10112x128xf32, #tpu.memory_space<vmem_shared>> -> memref<128x128xf32, #tpu.memory_space<vmem_shared>>
      tpu.enqueue_dma source(%arg8 : memref<128x128xf32, #tpu.memory_space<vmem>>) target(%dma_start3A_40 : memref<128x128xf32, #tpu.memory_space<vmem_shared>>) target_semaphore(%run_scoped3A : memref<!tpu.dma_semaphore, #tpu.memory_space<semaphore_mem>>)
      %dma_wait3A = arith.constant 0 : i32
      %dma_wait3A_41 = tpu.memref_slice %arg9[%add3A_10, %dma_wait3A] : memref<10112x128xf32, #tpu.memory_space<vmem_shared>> -> memref<128x128xf32, #tpu.memory_space<vmem_shared>>
      %dma_wait3A_42 = arith.constant 0 : i32
      %dma_wait3A_43 = tpu.memref_slice %arg9[%add3A_10, %dma_wait3A_42] : memref<10112x128xf32, #tpu.memory_space<vmem_shared>> -> memref<128x128xf32, #tpu.memory_space<vmem_shared>>
      tpu.wait_dma2 semaphore(%run_scoped3A : memref<!tpu.dma_semaphore, #tpu.memory_space<semaphore_mem>>) src(%arg8 : memref<128x128xf32, #tpu.memory_space<vmem>>) dst(%dma_wait3A_43 : memref<128x128xf32, #tpu.memory_space<vmem_shared>>)
      tpu.yield
    }) : () -> ()
    %add3A_11 = arith.constant 128 : i32
    %add3A_12 = arith.addi %mul3A_2, %add3A_11 : i32
    "tpu.region"() ({
      %run_scoped3A = tpu.sem_alloc : memref<!tpu.dma_semaphore, #tpu.memory_space<semaphore_mem>>
      %dma_start3A = arith.constant 0 : i32
      %dma_start3A_38 = tpu.memref_slice %arg9[%add3A_12, %dma_start3A] : memref<10112x128xf32, #tpu.memory_space<vmem_shared>> -> memref<128x128xf32, #tpu.memory_space<vmem_shared>>
      %dma_start3A_39 = arith.constant 0 : i32
      %dma_start3A_40 = tpu.memref_slice %arg9[%add3A_12, %dma_start3A_39] : memref<10112x128xf32, #tpu.memory_space<vmem_shared>> -> memref<128x128xf32, #tpu.memory_space<vmem_shared>>
      tpu.enqueue_dma source(%arg8 : memref<128x128xf32, #tpu.memory_space<vmem>>) target(%dma_start3A_40 : memref<128x128xf32, #tpu.memory_space<vmem_shared>>) target_semaphore(%run_scoped3A : memref<!tpu.dma_semaphore, #tpu.memory_space<semaphore_mem>>)
      %dma_wait3A = arith.constant 0 : i32
      %dma_wait3A_41 = tpu.memref_slice %arg9[%add3A_12, %dma_wait3A] : memref<10112x128xf32, #tpu.memory_space<vmem_shared>> -> memref<128x128xf32, #tpu.memory_space<vmem_shared>>
      %dma_wait3A_42 = arith.constant 0 : i32
      %dma_wait3A_43 = tpu.memref_slice %arg9[%add3A_12, %dma_wait3A_42] : memref<10112x128xf32, #tpu.memory_space<vmem_shared>> -> memref<128x128xf32, #tpu.memory_space<vmem_shared>>
      tpu.wait_dma2 semaphore(%run_scoped3A : memref<!tpu.dma_semaphore, #tpu.memory_space<semaphore_mem>>) src(%arg8 : memref<128x128xf32, #tpu.memory_space<vmem>>) dst(%dma_wait3A_43 : memref<128x128xf32, #tpu.memory_space<vmem_shared>>)
      tpu.yield
    }) : () -> ()
    %add3A_13 = arith.constant 256 : i32
    %add3A_14 = arith.addi %mul3A_2, %add3A_13 : i32
    "tpu.region"() ({
      %run_scoped3A = tpu.sem_alloc : memref<!tpu.dma_semaphore, #tpu.memory_space<semaphore_mem>>
      %dma_start3A = arith.constant 0 : i32
      %dma_start3A_38 = tpu.memref_slice %arg9[%add3A_14, %dma_start3A] : memref<10112x128xf32, #tpu.memory_space<vmem_shared>> -> memref<128x128xf32, #tpu.memory_space<vmem_shared>>
      %dma_start3A_39 = arith.constant 0 : i32
      %dma_start3A_40 = tpu.memref_slice %arg9[%add3A_14, %dma_start3A_39] : memref<10112x128xf32, #tpu.memory_space<vmem_shared>> -> memref<128x128xf32, #tpu.memory_space<vmem_shared>>
      tpu.enqueue_dma source(%arg8 : memref<128x128xf32, #tpu.memory_space<vmem>>) target(%dma_start3A_40 : memref<128x128xf32, #tpu.memory_space<vmem_shared>>) target_semaphore(%run_scoped3A : memref<!tpu.dma_semaphore, #tpu.memory_space<semaphore_mem>>)
      %dma_wait3A = arith.constant 0 : i32
      %dma_wait3A_41 = tpu.memref_slice %arg9[%add3A_14, %dma_wait3A] : memref<10112x128xf32, #tpu.memory_space<vmem_shared>> -> memref<128x128xf32, #tpu.memory_space<vmem_shared>>
      %dma_wait3A_42 = arith.constant 0 : i32
      %dma_wait3A_43 = tpu.memref_slice %arg9[%add3A_14, %dma_wait3A_42] : memref<10112x128xf32, #tpu.memory_space<vmem_shared>> -> memref<128x128xf32, #tpu.memory_space<vmem_shared>>
      tpu.wait_dma2 semaphore(%run_scoped3A : memref<!tpu.dma_semaphore, #tpu.memory_space<semaphore_mem>>) src(%arg8 : memref<128x128xf32, #tpu.memory_space<vmem>>) dst(%dma_wait3A_43 : memref<128x128xf32, #tpu.memory_space<vmem_shared>>)
      tpu.yield
    }) : () -> ()
    %add3A_15 = arith.constant 384 : i32
    %add3A_16 = arith.addi %mul3A_2, %add3A_15 : i32
    "tpu.region"() ({
      %run_scoped3A = tpu.sem_alloc : memref<!tpu.dma_semaphore, #tpu.memory_space<semaphore_mem>>
      %dma_start3A = arith.constant 0 : i32
      %dma_start3A_38 = tpu.memref_slice %arg9[%add3A_16, %dma_start3A] : memref<10112x128xf32, #tpu.memory_space<vmem_shared>> -> memref<128x128xf32, #tpu.memory_space<vmem_shared>>
      %dma_start3A_39 = arith.constant 0 : i32
      %dma_start3A_40 = tpu.memref_slice %arg9[%add3A_16, %dma_start3A_39] : memref<10112x128xf32, #tpu.memory_space<vmem_shared>> -> memref<128x128xf32, #tpu.memory_space<vmem_shared>>
      tpu.enqueue_dma source(%arg8 : memref<128x128xf32, #tpu.memory_space<vmem>>) target(%dma_start3A_40 : memref<128x128xf32, #tpu.memory_space<vmem_shared>>) target_semaphore(%run_scoped3A : memref<!tpu.dma_semaphore, #tpu.memory_space<semaphore_mem>>)
      %dma_wait3A = arith.constant 0 : i32
      %dma_wait3A_41 = tpu.memref_slice %arg9[%add3A_16, %dma_wait3A] : memref<10112x128xf32, #tpu.memory_space<vmem_shared>> -> memref<128x128xf32, #tpu.memory_space<vmem_shared>>
      %dma_wait3A_42 = arith.constant 0 : i32
      %dma_wait3A_43 = tpu.memref_slice %arg9[%add3A_16, %dma_wait3A_42] : memref<10112x128xf32, #tpu.memory_space<vmem_shared>> -> memref<128x128xf32, #tpu.memory_space<vmem_shared>>
      tpu.wait_dma2 semaphore(%run_scoped3A : memref<!tpu.dma_semaphore, #tpu.memory_space<semaphore_mem>>) src(%arg8 : memref<128x128xf32, #tpu.memory_space<vmem>>) dst(%dma_wait3A_43 : memref<128x128xf32, #tpu.memory_space<vmem_shared>>)
      tpu.yield
    }) : () -> ()
    %add3A_17 = arith.constant 512 : i32
    %add3A_18 = arith.addi %mul3A_2, %add3A_17 : i32
    "tpu.region"() ({
      %run_scoped3A = tpu.sem_alloc : memref<!tpu.dma_semaphore, #tpu.memory_space<semaphore_mem>>
      %dma_start3A = arith.constant 0 : i32
      %dma_start3A_38 = arith.constant 0 : i32
      %dma_start3A_39 = tpu.memref_slice %arg8[%dma_start3A, %dma_start3A_38] : memref<128x128xf32, #tpu.memory_space<vmem>> -> memref<120x128xf32, #tpu.memory_space<vmem>>
      %dma_start3A_40 = arith.constant 0 : i32
      %dma_start3A_41 = tpu.memref_slice %arg9[%add3A_18, %dma_start3A_40] : memref<10112x128xf32, #tpu.memory_space<vmem_shared>> -> memref<120x128xf32, #tpu.memory_space<vmem_shared>>
      %dma_start3A_42 = arith.constant 0 : i32
      %dma_start3A_43 = tpu.memref_slice %arg9[%add3A_18, %dma_start3A_42] : memref<10112x128xf32, #tpu.memory_space<vmem_shared>> -> memref<120x128xf32, #tpu.memory_space<vmem_shared>>
      %dma_start3A_44 = arith.constant 0 : i32
      %dma_start3A_45 = arith.constant 0 : i32
      %dma_start3A_46 = tpu.memref_slice %arg8[%dma_start3A_44, %dma_start3A_45] : memref<128x128xf32, #tpu.memory_space<vmem>> -> memref<120x128xf32, #tpu.memory_space<vmem>>
      tpu.enqueue_dma source(%dma_start3A_46 : memref<120x128xf32, #tpu.memory_space<vmem>>) target(%dma_start3A_43 : memref<120x128xf32, #tpu.memory_space<vmem_shared>>) target_semaphore(%run_scoped3A : memref<!tpu.dma_semaphore, #tpu.memory_space<semaphore_mem>>)
      %dma_wait3A = arith.constant 0 : i32
      %dma_wait3A_47 = arith.constant 0 : i32
      %dma_wait3A_48 = tpu.memref_slice %arg8[%dma_wait3A, %dma_wait3A_47] : memref<128x128xf32, #tpu.memory_space<vmem>> -> memref<120x128xf32, #tpu.memory_space<vmem>>
      %dma_wait3A_49 = arith.constant 0 : i32
      %dma_wait3A_50 = tpu.memref_slice %arg9[%add3A_18, %dma_wait3A_49] : memref<10112x128xf32, #tpu.memory_space<vmem_shared>> -> memref<120x128xf32, #tpu.memory_space<vmem_shared>>
      %dma_wait3A_51 = arith.constant 0 : i32
      %dma_wait3A_52 = tpu.memref_slice %arg9[%add3A_18, %dma_wait3A_51] : memref<10112x128xf32, #tpu.memory_space<vmem_shared>> -> memref<120x128xf32, #tpu.memory_space<vmem_shared>>
      %dma_wait3A_53 = arith.constant 0 : i32
      %dma_wait3A_54 = arith.constant 0 : i32
      %dma_wait3A_55 = tpu.memref_slice %arg8[%dma_wait3A_53, %dma_wait3A_54] : memref<128x128xf32, #tpu.memory_space<vmem>> -> memref<120x128xf32, #tpu.memory_space<vmem>>
      tpu.wait_dma2 semaphore(%run_scoped3A : memref<!tpu.dma_semaphore, #tpu.memory_space<semaphore_mem>>) src(%dma_wait3A_55 : memref<120x128xf32, #tpu.memory_space<vmem>>) dst(%dma_wait3A_52 : memref<120x128xf32, #tpu.memory_space<vmem_shared>>)
      tpu.yield
    }) : () -> ()
    %barrier3A = arith.constant 0 : index
    tpu.barrier barrier_id(%barrier3A)
    %eq3A = arith.constant 0 : i32
    %eq3A_19 = arith.cmpi eq, %arg0, %eq3A : i32
    %jit3A = arith.constant 105 : i32
    %jit3A_20 = arith.constant 53 : i32
    %select_n3A = arith.select %eq3A_19, %jit3A, %jit3A_20 : i32
    %while3A = arith.constant 0 : i32
    %while3A_21 = arith.constant 0 : i32
    %while3A_22 = arith.subi %select_n3A, %while3A_21 : i32
    %while3A_23 = arith.addi %while3A_21, %while3A_22 : i32
    %while3A_24 = arith.constant 1 : i32
    %while3A_25 = arith.divsi %while3A_22, %while3A_24 : i32
    %while3A_26 = arith.muli %while3A_25, %while3A_24 : i32
    %while3A_27 = arith.addi %while3A_21, %while3A_26 : i32
    %while3A_28 = arith.constant 1 : i32
    scf.for %while3A_38 = %while3A_21 to %while3A_27 step %while3A_28  : i32 {
      %dma_start3A = arith.constant 0 : i32
      %dma_start3A_39 = tpu.memref_slice %arg6[%while3A_38, %dma_start3A] : memref<105x128xi32, #tpu.memory_space<vmem>> -> memref<1x128xi32, #tpu.memory_space<vmem>>
      %dma_start3A_40 = tpu.memref_squeeze %dma_start3A_39 : memref<1x128xi32, #tpu.memory_space<vmem>> -> memref<128xi32, #tpu.memory_space<vmem>>
      %dma_start3A_41 = arith.constant 0 : i32
      %dma_start3A_42 = arith.constant 0 : i32
      %dma_start3A_43 = tpu.memref_slice %arg2[%dma_start3A_41, %dma_start3A_42] : memref<10000x128xf32, #tpu.memory_space<hbm>> -> memref<10000x128xf32, #tpu.memory_space<hbm>>
      tpu.enqueue_indirect_dma source(%dma_start3A_43 : memref<10000x128xf32, #tpu.memory_space<hbm>>) target(%arg8 : memref<128x128xf32, #tpu.memory_space<vmem>>) offsets(%dma_start3A_40 : memref<128xi32, #tpu.memory_space<vmem>>) semaphore(%arg10 : memref<!tpu.dma_semaphore, #tpu.memory_space<semaphore_mem>>)
      %dma_wait3A = arith.constant 0 : i32
      %dma_wait3A_44 = tpu.memref_slice %arg6[%while3A_38, %dma_wait3A] : memref<105x128xi32, #tpu.memory_space<vmem>> -> memref<1x128xi32, #tpu.memory_space<vmem>>
      %dma_wait3A_45 = tpu.memref_squeeze %dma_wait3A_44 : memref<1x128xi32, #tpu.memory_space<vmem>> -> memref<128xi32, #tpu.memory_space<vmem>>
      %dma_wait3A_46 = arith.constant 0 : i32
      %dma_wait3A_47 = arith.constant 0 : i32
      %dma_wait3A_48 = tpu.memref_slice %arg2[%dma_wait3A_46, %dma_wait3A_47] : memref<10000x128xf32, #tpu.memory_space<hbm>> -> memref<10000x128xf32, #tpu.memory_space<hbm>>
      tpu.wait_indirect_dma semaphore(%arg10 : memref<!tpu.dma_semaphore, #tpu.memory_space<semaphore_mem>>) src(%dma_wait3A_48 : memref<10000x128xf32, #tpu.memory_space<hbm>>) dst(%arg8 : memref<128x128xf32, #tpu.memory_space<vmem>>)
      "tpu.region"() ({
        %run_scoped3A = tpu.sem_alloc : memref<!tpu.dma_semaphore, #tpu.memory_space<semaphore_mem>>
        %dma_start3A_49 = arith.constant 0 : i32
        %dma_start3A_50 = tpu.memref_slice %arg7[%while3A_38, %dma_start3A_49] : memref<105x128xi32, #tpu.memory_space<vmem>> -> memref<1x128xi32, #tpu.memory_space<vmem>>
        %dma_start3A_51 = tpu.memref_squeeze %dma_start3A_50 : memref<1x128xi32, #tpu.memory_space<vmem>> -> memref<128xi32, #tpu.memory_space<vmem>>
        %dma_start3A_52 = arith.constant 0 : i32
        %dma_start3A_53 = arith.constant 0 : i32
        %dma_start3A_54 = tpu.memref_slice %arg9[%dma_start3A_52, %dma_start3A_53] : memref<10112x128xf32, #tpu.memory_space<vmem_shared>> -> memref<10112x128xf32, #tpu.memory_space<vmem_shared>>
        tpu.enqueue_indirect_dma source(%arg8 : memref<128x128xf32, #tpu.memory_space<vmem>>) target(%dma_start3A_54 : memref<10112x128xf32, #tpu.memory_space<vmem_shared>>) offsets(%dma_start3A_51 : memref<128xi32, #tpu.memory_space<vmem>>) semaphore(%run_scoped3A : memref<!tpu.dma_semaphore, #tpu.memory_space<semaphore_mem>>) {add = true}
        %dma_wait3A_55 = arith.constant 0 : i32
        %dma_wait3A_56 = tpu.memref_slice %arg7[%while3A_38, %dma_wait3A_55] : memref<105x128xi32, #tpu.memory_space<vmem>> -> memref<1x128xi32, #tpu.memory_space<vmem>>
        %dma_wait3A_57 = tpu.memref_squeeze %dma_wait3A_56 : memref<1x128xi32, #tpu.memory_space<vmem>> -> memref<128xi32, #tpu.memory_space<vmem>>
        %dma_wait3A_58 = arith.constant 0 : i32
        %dma_wait3A_59 = arith.constant 0 : i32
        %dma_wait3A_60 = tpu.memref_slice %arg9[%dma_wait3A_58, %dma_wait3A_59] : memref<10112x128xf32, #tpu.memory_space<vmem_shared>> -> memref<10112x128xf32, #tpu.memory_space<vmem_shared>>
        tpu.wait_indirect_dma semaphore(%run_scoped3A : memref<!tpu.dma_semaphore, #tpu.memory_space<semaphore_mem>>) src(%arg8 : memref<128x128xf32, #tpu.memory_space<vmem>>) dst(%dma_wait3A_60 : memref<10112x128xf32, #tpu.memory_space<vmem_shared>>)
        tpu.yield
      }) : () -> ()
    }
    %while3A_29 = arith.constant 1 : i32
    scf.for %while3A_38 = %while3A_27 to %while3A_23 step %while3A_29  : i32 {
      %dma_start3A = arith.constant 0 : i32
      %dma_start3A_39 = tpu.memref_slice %arg6[%while3A_38, %dma_start3A] : memref<105x128xi32, #tpu.memory_space<vmem>> -> memref<1x128xi32, #tpu.memory_space<vmem>>
      %dma_start3A_40 = tpu.memref_squeeze %dma_start3A_39 : memref<1x128xi32, #tpu.memory_space<vmem>> -> memref<128xi32, #tpu.memory_space<vmem>>
      %dma_start3A_41 = arith.constant 0 : i32
      %dma_start3A_42 = arith.constant 0 : i32
      %dma_start3A_43 = tpu.memref_slice %arg2[%dma_start3A_41, %dma_start3A_42] : memref<10000x128xf32, #tpu.memory_space<hbm>> -> memref<10000x128xf32, #tpu.memory_space<hbm>>
      tpu.enqueue_indirect_dma source(%dma_start3A_43 : memref<10000x128xf32, #tpu.memory_space<hbm>>) target(%arg8 : memref<128x128xf32, #tpu.memory_space<vmem>>) offsets(%dma_start3A_40 : memref<128xi32, #tpu.memory_space<vmem>>) semaphore(%arg10 : memref<!tpu.dma_semaphore, #tpu.memory_space<semaphore_mem>>)
      %dma_wait3A = arith.constant 0 : i32
      %dma_wait3A_44 = tpu.memref_slice %arg6[%while3A_38, %dma_wait3A] : memref<105x128xi32, #tpu.memory_space<vmem>> -> memref<1x128xi32, #tpu.memory_space<vmem>>
      %dma_wait3A_45 = tpu.memref_squeeze %dma_wait3A_44 : memref<1x128xi32, #tpu.memory_space<vmem>> -> memref<128xi32, #tpu.memory_space<vmem>>
      %dma_wait3A_46 = arith.constant 0 : i32
      %dma_wait3A_47 = arith.constant 0 : i32
      %dma_wait3A_48 = tpu.memref_slice %arg2[%dma_wait3A_46, %dma_wait3A_47] : memref<10000x128xf32, #tpu.memory_space<hbm>> -> memref<10000x128xf32, #tpu.memory_space<hbm>>
      tpu.wait_indirect_dma semaphore(%arg10 : memref<!tpu.dma_semaphore, #tpu.memory_space<semaphore_mem>>) src(%dma_wait3A_48 : memref<10000x128xf32, #tpu.memory_space<hbm>>) dst(%arg8 : memref<128x128xf32, #tpu.memory_space<vmem>>)
      "tpu.region"() ({
        %run_scoped3A = tpu.sem_alloc : memref<!tpu.dma_semaphore, #tpu.memory_space<semaphore_mem>>
        %dma_start3A_49 = arith.constant 0 : i32
        %dma_start3A_50 = tpu.memref_slice %arg7[%while3A_38, %dma_start3A_49] : memref<105x128xi32, #tpu.memory_space<vmem>> -> memref<1x128xi32, #tpu.memory_space<vmem>>
        %dma_start3A_51 = tpu.memref_squeeze %dma_start3A_50 : memref<1x128xi32, #tpu.memory_space<vmem>> -> memref<128xi32, #tpu.memory_space<vmem>>
        %dma_start3A_52 = arith.constant 0 : i32
        %dma_start3A_53 = arith.constant 0 : i32
        %dma_start3A_54 = tpu.memref_slice %arg9[%dma_start3A_52, %dma_start3A_53] : memref<10112x128xf32, #tpu.memory_space<vmem_shared>> -> memref<10112x128xf32, #tpu.memory_space<vmem_shared>>
        tpu.enqueue_indirect_dma source(%arg8 : memref<128x128xf32, #tpu.memory_space<vmem>>) target(%dma_start3A_54 : memref<10112x128xf32, #tpu.memory_space<vmem_shared>>) offsets(%dma_start3A_51 : memref<128xi32, #tpu.memory_space<vmem>>) semaphore(%run_scoped3A : memref<!tpu.dma_semaphore, #tpu.memory_space<semaphore_mem>>) {add = true}
        %dma_wait3A_55 = arith.constant 0 : i32
        %dma_wait3A_56 = tpu.memref_slice %arg7[%while3A_38, %dma_wait3A_55] : memref<105x128xi32, #tpu.memory_space<vmem>> -> memref<1x128xi32, #tpu.memory_space<vmem>>
        %dma_wait3A_57 = tpu.memref_squeeze %dma_wait3A_56 : memref<1x128xi32, #tpu.memory_space<vmem>> -> memref<128xi32, #tpu.memory_space<vmem>>
        %dma_wait3A_58 = arith.constant 0 : i32
        %dma_wait3A_59 = arith.constant 0 : i32
        %dma_wait3A_60 = tpu.memref_slice %arg9[%dma_wait3A_58, %dma_wait3A_59] : memref<10112x128xf32, #tpu.memory_space<vmem_shared>> -> memref<10112x128xf32, #tpu.memory_space<vmem_shared>>
        tpu.wait_indirect_dma semaphore(%run_scoped3A : memref<!tpu.dma_semaphore, #tpu.memory_space<semaphore_mem>>) src(%arg8 : memref<128x128xf32, #tpu.memory_space<vmem>>) dst(%dma_wait3A_60 : memref<10112x128xf32, #tpu.memory_space<vmem_shared>>)
        tpu.yield
      }) : () -> ()
    }
    %barrier3A_30 = arith.constant 0 : index
    tpu.barrier barrier_id(%barrier3A_30)
    %lt3A = arith.constant 15 : i32
    %lt3A_31 = arith.cmpi slt, %arg1, %lt3A : i32
    %convert_element_type3A = arith.extui %lt3A_31 : i1 to i32
    %cond3A = arith.constant 0 : i32
    %cond3A_32 = arith.cmpi ne, %convert_element_type3A, %cond3A : i32
    scf.if %cond3A_32 {
      "tpu.region"() ({
        %run_scoped3A = tpu.sem_alloc : memref<!tpu.dma_semaphore, #tpu.memory_space<semaphore_mem>>
        %dma_start3A = arith.constant 0 : i32
        %dma_start3A_38 = tpu.memref_slice %arg5[%arg0, %mul3A_2, %dma_start3A] : memref<2x10000x128xf32, #tpu.memory_space<hbm>> -> memref<1x632x128xf32, #tpu.memory_space<hbm>>
        %dma_start3A_39 = tpu.memref_squeeze %dma_start3A_38 : memref<1x632x128xf32, #tpu.memory_space<hbm>> -> memref<632x128xf32, #tpu.memory_space<hbm>>
        %dma_start3A_40 = arith.constant 0 : i32
        %dma_start3A_41 = tpu.memref_slice %arg9[%mul3A_2, %dma_start3A_40] : memref<10112x128xf32, #tpu.memory_space<vmem_shared>> -> memref<632x128xf32, #tpu.memory_space<vmem_shared>>
        tpu.enqueue_dma source(%dma_start3A_41 : memref<632x128xf32, #tpu.memory_space<vmem_shared>>) target(%dma_start3A_39 : memref<632x128xf32, #tpu.memory_space<hbm>>) target_semaphore(%run_scoped3A : memref<!tpu.dma_semaphore, #tpu.memory_space<semaphore_mem>>)
        %dma_wait3A = arith.constant 0 : i32
        %dma_wait3A_42 = tpu.memref_slice %arg5[%arg0, %mul3A_2, %dma_wait3A] : memref<2x10000x128xf32, #tpu.memory_space<hbm>> -> memref<1x632x128xf32, #tpu.memory_space<hbm>>
        %dma_wait3A_43 = tpu.memref_squeeze %dma_wait3A_42 : memref<1x632x128xf32, #tpu.memory_space<hbm>> -> memref<632x128xf32, #tpu.memory_space<hbm>>
        %dma_wait3A_44 = arith.constant 0 : i32
        %dma_wait3A_45 = tpu.memref_slice %arg9[%mul3A_2, %dma_wait3A_44] : memref<10112x128xf32, #tpu.memory_space<vmem_shared>> -> memref<632x128xf32, #tpu.memory_space<vmem_shared>>
        tpu.wait_dma2 semaphore(%run_scoped3A : memref<!tpu.dma_semaphore, #tpu.memory_space<semaphore_mem>>) src(%dma_wait3A_45 : memref<632x128xf32, #tpu.memory_space<vmem_shared>>) dst(%dma_wait3A_43 : memref<632x128xf32, #tpu.memory_space<hbm>>)
        tpu.yield
      }) : () -> ()
    } else {
    }
    %eq3A_33 = arith.constant 15 : i32
    %eq3A_34 = arith.cmpi eq, %arg1, %eq3A_33 : i32
    %convert_element_type3A_35 = arith.extui %eq3A_34 : i1 to i32
    %cond3A_36 = arith.constant 0 : i32
    %cond3A_37 = arith.cmpi ne, %convert_element_type3A_35, %cond3A_36 : i32
    scf.if %cond3A_37 {
      "tpu.region"() ({
        %run_scoped3A = tpu.sem_alloc : memref<!tpu.dma_semaphore, #tpu.memory_space<semaphore_mem>>
        %dma_start3A = arith.constant 0 : i32
        %dma_start3A_38 = tpu.memref_slice %arg5[%arg0, %mul3A_2, %dma_start3A] : memref<2x10000x128xf32, #tpu.memory_space<hbm>> -> memref<1x520x128xf32, #tpu.memory_space<hbm>>
        %dma_start3A_39 = tpu.memref_squeeze %dma_start3A_38 : memref<1x520x128xf32, #tpu.memory_space<hbm>> -> memref<520x128xf32, #tpu.memory_space<hbm>>
        %dma_start3A_40 = arith.constant 0 : i32
        %dma_start3A_41 = tpu.memref_slice %arg9[%mul3A_2, %dma_start3A_40] : memref<10112x128xf32, #tpu.memory_space<vmem_shared>> -> memref<520x128xf32, #tpu.memory_space<vmem_shared>>
        tpu.enqueue_dma source(%dma_start3A_41 : memref<520x128xf32, #tpu.memory_space<vmem_shared>>) target(%dma_start3A_39 : memref<520x128xf32, #tpu.memory_space<hbm>>) target_semaphore(%run_scoped3A : memref<!tpu.dma_semaphore, #tpu.memory_space<semaphore_mem>>)
        %dma_wait3A = arith.constant 0 : i32
        %dma_wait3A_42 = tpu.memref_slice %arg5[%arg0, %mul3A_2, %dma_wait3A] : memref<2x10000x128xf32, #tpu.memory_space<hbm>> -> memref<1x520x128xf32, #tpu.memory_space<hbm>>
        %dma_wait3A_43 = tpu.memref_squeeze %dma_wait3A_42 : memref<1x520x128xf32, #tpu.memory_space<hbm>> -> memref<520x128xf32, #tpu.memory_space<hbm>>
        %dma_wait3A_44 = arith.constant 0 : i32
        %dma_wait3A_45 = tpu.memref_slice %arg9[%mul3A_2, %dma_wait3A_44] : memref<10112x128xf32, #tpu.memory_space<vmem_shared>> -> memref<520x128xf32, #tpu.memory_space<vmem_shared>>
        tpu.wait_dma2 semaphore(%run_scoped3A : memref<!tpu.dma_semaphore, #tpu.memory_space<semaphore_mem>>) src(%dma_wait3A_45 : memref<520x128xf32, #tpu.memory_space<vmem_shared>>) dst(%dma_wait3A_43 : memref<520x128xf32, #tpu.memory_space<hbm>>)
        tpu.yield
      }) : () -> ()
    } else {
    }
    return
  }
}

#map = affine_map<(d0, d1) -> (0, 0)>
#map1 = affine_map<(d0, d1) -> (0, 0, 0)>
module attributes {stable_mosaic.version = 14 : i64} {
  func.func @_agg_kernel(%arg0: i32, %arg1: i32, %arg2: memref<10000x128xf32, #tpu.memory_space<hbm>>, %arg3: memref<32x105x128xi32, #tpu.memory_space<hbm>>, %arg4: memref<32x105x128xi32, #tpu.memory_space<hbm>>, %arg5: memref<2x10000x128xf32, #tpu.memory_space<hbm>>, %arg6: memref<105x128xi32, #tpu.memory_space<vmem>>, %arg7: memref<105x128xi32, #tpu.memory_space<vmem>>, %arg8: memref<128x128xf32, #tpu.memory_space<vmem>>, %arg9: memref<10112x128xf32, #tpu.memory_space<vmem_shared>>, %arg10: memref<!tpu.dma_semaphore, #tpu.memory_space<semaphore_mem>>) attributes {dimension_semantics = [#tpu.dimension_semantics<core_parallel>, #tpu.dimension_semantics<subcore_parallel>], iteration_bounds = array<i64: 2, 16>, scalar_prefetch = 0 : i64, scratch_operands = 5 : i64, tpu.core_type = #tpu.core_type<sc_vector_subcore>, window_params = [{transform_indices = #map}, {transform_indices = #map1}, {transform_indices = #map1}, {transform_indices = #map1}]} {
    %mul3A = arith.constant 16 : i32
    %mul3A_0 = arith.muli %arg0, %mul3A : i32
    %add3A = arith.addi %mul3A_0, %arg1 : i32
    %mul3A_1 = arith.constant 632 : i32
    %mul3A_2 = arith.muli %arg1, %mul3A_1 : i32
    "tpu.region"() ({
      %run_scoped3A = tpu.sem_alloc : memref<!tpu.dma_semaphore, #tpu.memory_space<semaphore_mem>>
      %dma_start3A = arith.constant 0 : i32
      %dma_start3A_38 = arith.constant 0 : i32
      %dma_start3A_39 = tpu.memref_slice %arg3[%add3A, %dma_start3A, %dma_start3A_38] : memref<32x105x128xi32, #tpu.memory_space<hbm>> -> memref<1x105x128xi32, #tpu.memory_space<hbm>>
      %dma_start3A_40 = tpu.memref_squeeze %dma_start3A_39 : memref<1x105x128xi32, #tpu.memory_space<hbm>> -> memref<105x128xi32, #tpu.memory_space<hbm>>
      %dma_start3A_41 = arith.constant 0 : i32
      %dma_start3A_42 = arith.constant 0 : i32
      %dma_start3A_43 = tpu.memref_slice %arg3[%add3A, %dma_start3A_41, %dma_start3A_42] : memref<32x105x128xi32, #tpu.memory_space<hbm>> -> memref<1x105x128xi32, #tpu.memory_space<hbm>>
      %dma_start3A_44 = tpu.memref_squeeze %dma_start3A_43 : memref<1x105x128xi32, #tpu.memory_space<hbm>> -> memref<105x128xi32, #tpu.memory_space<hbm>>
      tpu.enqueue_dma source(%dma_start3A_44 : memref<105x128xi32, #tpu.memory_space<hbm>>) target(%arg6 : memref<105x128xi32, #tpu.memory_space<vmem>>) target_semaphore(%run_scoped3A : memref<!tpu.dma_semaphore, #tpu.memory_space<semaphore_mem>>)
      %dma_wait3A = arith.constant 0 : i32
      %dma_wait3A_45 = arith.constant 0 : i32
      %dma_wait3A_46 = tpu.memref_slice %arg3[%add3A, %dma_wait3A, %dma_wait3A_45] : memref<32x105x128xi32, #tpu.memory_space<hbm>> -> memref<1x105x128xi32, #tpu.memory_space<hbm>>
      %dma_wait3A_47 = tpu.memref_squeeze %dma_wait3A_46 : memref<1x105x128xi32, #tpu.memory_space<hbm>> -> memref<105x128xi32, #tpu.memory_space<hbm>>
      %dma_wait3A_48 = arith.constant 0 : i32
      %dma_wait3A_49 = arith.constant 0 : i32
      %dma_wait3A_50 = tpu.memref_slice %arg3[%add3A, %dma_wait3A_48, %dma_wait3A_49] : memref<32x105x128xi32, #tpu.memory_space<hbm>> -> memref<1x105x128xi32, #tpu.memory_space<hbm>>
      %dma_wait3A_51 = tpu.memref_squeeze %dma_wait3A_50 : memref<1x105x128xi32, #tpu.memory_space<hbm>> -> memref<105x128xi32, #tpu.memory_space<hbm>>
      tpu.wait_dma2 semaphore(%run_scoped3A : memref<!tpu.dma_semaphore, #tpu.memory_space<semaphore_mem>>) src(%dma_wait3A_51 : memref<105x128xi32, #tpu.memory_space<hbm>>) dst(%arg6 : memref<105x128xi32, #tpu.memory_space<vmem>>)
      tpu.yield
    }) : () -> ()
    "tpu.region"() ({
      %run_scoped3A = tpu.sem_alloc : memref<!tpu.dma_semaphore, #tpu.memory_space<semaphore_mem>>
      %dma_start3A = arith.constant 0 : i32
      %dma_start3A_38 = arith.constant 0 : i32
      %dma_start3A_39 = tpu.memref_slice %arg4[%add3A, %dma_start3A, %dma_start3A_38] : memref<32x105x128xi32, #tpu.memory_space<hbm>> -> memref<1x105x128xi32, #tpu.memory_space<hbm>>
      %dma_start3A_40 = tpu.memref_squeeze %dma_start3A_39 : memref<1x105x128xi32, #tpu.memory_space<hbm>> -> memref<105x128xi32, #tpu.memory_space<hbm>>
      %dma_start3A_41 = arith.constant 0 : i32
      %dma_start3A_42 = arith.constant 0 : i32
      %dma_start3A_43 = tpu.memref_slice %arg4[%add3A, %dma_start3A_41, %dma_start3A_42] : memref<32x105x128xi32, #tpu.memory_space<hbm>> -> memref<1x105x128xi32, #tpu.memory_space<hbm>>
      %dma_start3A_44 = tpu.memref_squeeze %dma_start3A_43 : memref<1x105x128xi32, #tpu.memory_space<hbm>> -> memref<105x128xi32, #tpu.memory_space<hbm>>
      tpu.enqueue_dma source(%dma_start3A_44 : memref<105x128xi32, #tpu.memory_space<hbm>>) target(%arg7 : memref<105x128xi32, #tpu.memory_space<vmem>>) target_semaphore(%run_scoped3A : memref<!tpu.dma_semaphore, #tpu.memory_space<semaphore_mem>>)
      %dma_wait3A = arith.constant 0 : i32
      %dma_wait3A_45 = arith.constant 0 : i32
      %dma_wait3A_46 = tpu.memref_slice %arg4[%add3A, %dma_wait3A, %dma_wait3A_45] : memref<32x105x128xi32, #tpu.memory_space<hbm>> -> memref<1x105x128xi32, #tpu.memory_space<hbm>>
      %dma_wait3A_47 = tpu.memref_squeeze %dma_wait3A_46 : memref<1x105x128xi32, #tpu.memory_space<hbm>> -> memref<105x128xi32, #tpu.memory_space<hbm>>
      %dma_wait3A_48 = arith.constant 0 : i32
      %dma_wait3A_49 = arith.constant 0 : i32
      %dma_wait3A_50 = tpu.memref_slice %arg4[%add3A, %dma_wait3A_48, %dma_wait3A_49] : memref<32x105x128xi32, #tpu.memory_space<hbm>> -> memref<1x105x128xi32, #tpu.memory_space<hbm>>
      %dma_wait3A_51 = tpu.memref_squeeze %dma_wait3A_50 : memref<1x105x128xi32, #tpu.memory_space<hbm>> -> memref<105x128xi32, #tpu.memory_space<hbm>>
      tpu.wait_dma2 semaphore(%run_scoped3A : memref<!tpu.dma_semaphore, #tpu.memory_space<semaphore_mem>>) src(%dma_wait3A_51 : memref<105x128xi32, #tpu.memory_space<hbm>>) dst(%arg7 : memref<105x128xi32, #tpu.memory_space<vmem>>)
      tpu.yield
    }) : () -> ()
    %broadcast_in_dim3A = arith.constant 0.000000e+00 : f32
    %broadcast_in_dim3A_3 = vector.broadcast %broadcast_in_dim3A : f32 to vector<16xf32>
    %scan3A = arith.constant 0 : i32
    %scan3A_4 = arith.constant 0 : i32
    %scan3A_5 = arith.constant 128 : i32
    %scan3A_6 = arith.addi %scan3A_4, %scan3A_5 : i32
    %scan3A_7 = arith.constant 1 : i32
    scf.for %scan3A_38 = %scan3A_4 to %scan3A_6 step %scan3A_7  : i32 {
      %swap3A = arith.index_cast %scan3A_38 : i32 to index
      %swap3A_39 = arith.constant 0 : index
      %swap3A_40 = tpu.vector_load %arg8[%swap3A, %swap3A_39] {strides = array<i32>} : memref<128x128xf32, #tpu.memory_space<vmem>>, vector<16xf32>,
      tpu.vector_store %arg8[%swap3A, %swap3A_39], %broadcast_in_dim3A_3 {strides = array<i32>} : memref<128x128xf32, #tpu.memory_space<vmem>>, vector<16xf32>,
      %swap3A_41 = arith.index_cast %scan3A_38 : i32 to index
      %swap3A_42 = arith.constant 16 : index
      %swap3A_43 = tpu.vector_load %arg8[%swap3A_41, %swap3A_42] {strides = array<i32>} : memref<128x128xf32, #tpu.memory_space<vmem>>, vector<16xf32>,
      tpu.vector_store %arg8[%swap3A_41, %swap3A_42], %broadcast_in_dim3A_3 {strides = array<i32>} : memref<128x128xf32, #tpu.memory_space<vmem>>, vector<16xf32>,
      %swap3A_44 = arith.index_cast %scan3A_38 : i32 to index
      %swap3A_45 = arith.constant 32 : index
      %swap3A_46 = tpu.vector_load %arg8[%swap3A_44, %swap3A_45] {strides = array<i32>} : memref<128x128xf32, #tpu.memory_space<vmem>>, vector<16xf32>,
      tpu.vector_store %arg8[%swap3A_44, %swap3A_45], %broadcast_in_dim3A_3 {strides = array<i32>} : memref<128x128xf32, #tpu.memory_space<vmem>>, vector<16xf32>,
      %swap3A_47 = arith.index_cast %scan3A_38 : i32 to index
      %swap3A_48 = arith.constant 48 : index
      %swap3A_49 = tpu.vector_load %arg8[%swap3A_47, %swap3A_48] {strides = array<i32>} : memref<128x128xf32, #tpu.memory_space<vmem>>, vector<16xf32>,
      tpu.vector_store %arg8[%swap3A_47, %swap3A_48], %broadcast_in_dim3A_3 {strides = array<i32>} : memref<128x128xf32, #tpu.memory_space<vmem>>, vector<16xf32>,
      %swap3A_50 = arith.index_cast %scan3A_38 : i32 to index
      %swap3A_51 = arith.constant 64 : index
      %swap3A_52 = tpu.vector_load %arg8[%swap3A_50, %swap3A_51] {strides = array<i32>} : memref<128x128xf32, #tpu.memory_space<vmem>>, vector<16xf32>,
      tpu.vector_store %arg8[%swap3A_50, %swap3A_51], %broadcast_in_dim3A_3 {strides = array<i32>} : memref<128x128xf32, #tpu.memory_space<vmem>>, vector<16xf32>,
      %swap3A_53 = arith.index_cast %scan3A_38 : i32 to index
      %swap3A_54 = arith.constant 80 : index
      %swap3A_55 = tpu.vector_load %arg8[%swap3A_53, %swap3A_54] {strides = array<i32>} : memref<128x128xf32, #tpu.memory_space<vmem>>, vector<16xf32>,
      tpu.vector_store %arg8[%swap3A_53, %swap3A_54], %broadcast_in_dim3A_3 {strides = array<i32>} : memref<128x128xf32, #tpu.memory_space<vmem>>, vector<16xf32>,
      %swap3A_56 = arith.index_cast %scan3A_38 : i32 to index
      %swap3A_57 = arith.constant 96 : index
      %swap3A_58 = tpu.vector_load %arg8[%swap3A_56, %swap3A_57] {strides = array<i32>} : memref<128x128xf32, #tpu.memory_space<vmem>>, vector<16xf32>,
      tpu.vector_store %arg8[%swap3A_56, %swap3A_57], %broadcast_in_dim3A_3 {strides = array<i32>} : memref<128x128xf32, #tpu.memory_space<vmem>>, vector<16xf32>,
      %swap3A_59 = arith.index_cast %scan3A_38 : i32 to index
      %swap3A_60 = arith.constant 112 : index
      %swap3A_61 = tpu.vector_load %arg8[%swap3A_59, %swap3A_60] {strides = array<i32>} : memref<128x128xf32, #tpu.memory_space<vmem>>, vector<16xf32>,
      tpu.vector_store %arg8[%swap3A_59, %swap3A_60], %broadcast_in_dim3A_3 {strides = array<i32>} : memref<128x128xf32, #tpu.memory_space<vmem>>, vector<16xf32>,
    }
    %scan3A_8 = arith.constant 128 : i32
    %add3A_9 = arith.constant 0 : i32
    %add3A_10 = arith.addi %mul3A_2, %add3A_9 : i32
    "tpu.region"() ({
      %run_scoped3A = tpu.sem_alloc : memref<!tpu.dma_semaphore, #tpu.memory_space<semaphore_mem>>
      %dma_start3A = arith.constant 0 : i32
      %dma_start3A_38 = tpu.memref_slice %arg9[%add3A_10, %dma_start3A] : memref<10112x128xf32, #tpu.memory_space<vmem_shared>> -> memref<128x128xf32, #tpu.memory_space<vmem_shared>>
      %dma_start3A_39 = arith.constant 0 : i32
      %dma_start3A_40 = tpu.memref_slice %arg9[%add3A_10, %dma_start3A_39] : memref<10112x128xf32, #tpu.memory_space<vmem_shared>> -> memref<128x128xf32, #tpu.memory_space<vmem_shared>>
      tpu.enqueue_dma source(%arg8 : memref<128x128xf32, #tpu.memory_space<vmem>>) target(%dma_start3A_40 : memref<128x128xf32, #tpu.memory_space<vmem_shared>>) target_semaphore(%run_scoped3A : memref<!tpu.dma_semaphore, #tpu.memory_space<semaphore_mem>>)
      %dma_wait3A = arith.constant 0 : i32
      %dma_wait3A_41 = tpu.memref_slice %arg9[%add3A_10, %dma_wait3A] : memref<10112x128xf32, #tpu.memory_space<vmem_shared>> -> memref<128x128xf32, #tpu.memory_space<vmem_shared>>
      %dma_wait3A_42 = arith.constant 0 : i32
      %dma_wait3A_43 = tpu.memref_slice %arg9[%add3A_10, %dma_wait3A_42] : memref<10112x128xf32, #tpu.memory_space<vmem_shared>> -> memref<128x128xf32, #tpu.memory_space<vmem_shared>>
      tpu.wait_dma2 semaphore(%run_scoped3A : memref<!tpu.dma_semaphore, #tpu.memory_space<semaphore_mem>>) src(%arg8 : memref<128x128xf32, #tpu.memory_space<vmem>>) dst(%dma_wait3A_43 : memref<128x128xf32, #tpu.memory_space<vmem_shared>>)
      tpu.yield
    }) : () -> ()
    %add3A_11 = arith.constant 128 : i32
    %add3A_12 = arith.addi %mul3A_2, %add3A_11 : i32
    "tpu.region"() ({
      %run_scoped3A = tpu.sem_alloc : memref<!tpu.dma_semaphore, #tpu.memory_space<semaphore_mem>>
      %dma_start3A = arith.constant 0 : i32
      %dma_start3A_38 = tpu.memref_slice %arg9[%add3A_12, %dma_start3A] : memref<10112x128xf32, #tpu.memory_space<vmem_shared>> -> memref<128x128xf32, #tpu.memory_space<vmem_shared>>
      %dma_start3A_39 = arith.constant 0 : i32
      %dma_start3A_40 = tpu.memref_slice %arg9[%add3A_12, %dma_start3A_39] : memref<10112x128xf32, #tpu.memory_space<vmem_shared>> -> memref<128x128xf32, #tpu.memory_space<vmem_shared>>
      tpu.enqueue_dma source(%arg8 : memref<128x128xf32, #tpu.memory_space<vmem>>) target(%dma_start3A_40 : memref<128x128xf32, #tpu.memory_space<vmem_shared>>) target_semaphore(%run_scoped3A : memref<!tpu.dma_semaphore, #tpu.memory_space<semaphore_mem>>)
      %dma_wait3A = arith.constant 0 : i32
      %dma_wait3A_41 = tpu.memref_slice %arg9[%add3A_12, %dma_wait3A] : memref<10112x128xf32, #tpu.memory_space<vmem_shared>> -> memref<128x128xf32, #tpu.memory_space<vmem_shared>>
      %dma_wait3A_42 = arith.constant 0 : i32
      %dma_wait3A_43 = tpu.memref_slice %arg9[%add3A_12, %dma_wait3A_42] : memref<10112x128xf32, #tpu.memory_space<vmem_shared>> -> memref<128x128xf32, #tpu.memory_space<vmem_shared>>
      tpu.wait_dma2 semaphore(%run_scoped3A : memref<!tpu.dma_semaphore, #tpu.memory_space<semaphore_mem>>) src(%arg8 : memref<128x128xf32, #tpu.memory_space<vmem>>) dst(%dma_wait3A_43 : memref<128x128xf32, #tpu.memory_space<vmem_shared>>)
      tpu.yield
    }) : () -> ()
    %add3A_13 = arith.constant 256 : i32
    %add3A_14 = arith.addi %mul3A_2, %add3A_13 : i32
    "tpu.region"() ({
      %run_scoped3A = tpu.sem_alloc : memref<!tpu.dma_semaphore, #tpu.memory_space<semaphore_mem>>
      %dma_start3A = arith.constant 0 : i32
      %dma_start3A_38 = tpu.memref_slice %arg9[%add3A_14, %dma_start3A] : memref<10112x128xf32, #tpu.memory_space<vmem_shared>> -> memref<128x128xf32, #tpu.memory_space<vmem_shared>>
      %dma_start3A_39 = arith.constant 0 : i32
      %dma_start3A_40 = tpu.memref_slice %arg9[%add3A_14, %dma_start3A_39] : memref<10112x128xf32, #tpu.memory_space<vmem_shared>> -> memref<128x128xf32, #tpu.memory_space<vmem_shared>>
      tpu.enqueue_dma source(%arg8 : memref<128x128xf32, #tpu.memory_space<vmem>>) target(%dma_start3A_40 : memref<128x128xf32, #tpu.memory_space<vmem_shared>>) target_semaphore(%run_scoped3A : memref<!tpu.dma_semaphore, #tpu.memory_space<semaphore_mem>>)
      %dma_wait3A = arith.constant 0 : i32
      %dma_wait3A_41 = tpu.memref_slice %arg9[%add3A_14, %dma_wait3A] : memref<10112x128xf32, #tpu.memory_space<vmem_shared>> -> memref<128x128xf32, #tpu.memory_space<vmem_shared>>
      %dma_wait3A_42 = arith.constant 0 : i32
      %dma_wait3A_43 = tpu.memref_slice %arg9[%add3A_14, %dma_wait3A_42] : memref<10112x128xf32, #tpu.memory_space<vmem_shared>> -> memref<128x128xf32, #tpu.memory_space<vmem_shared>>
      tpu.wait_dma2 semaphore(%run_scoped3A : memref<!tpu.dma_semaphore, #tpu.memory_space<semaphore_mem>>) src(%arg8 : memref<128x128xf32, #tpu.memory_space<vmem>>) dst(%dma_wait3A_43 : memref<128x128xf32, #tpu.memory_space<vmem_shared>>)
      tpu.yield
    }) : () -> ()
    %add3A_15 = arith.constant 384 : i32
    %add3A_16 = arith.addi %mul3A_2, %add3A_15 : i32
    "tpu.region"() ({
      %run_scoped3A = tpu.sem_alloc : memref<!tpu.dma_semaphore, #tpu.memory_space<semaphore_mem>>
      %dma_start3A = arith.constant 0 : i32
      %dma_start3A_38 = tpu.memref_slice %arg9[%add3A_16, %dma_start3A] : memref<10112x128xf32, #tpu.memory_space<vmem_shared>> -> memref<128x128xf32, #tpu.memory_space<vmem_shared>>
      %dma_start3A_39 = arith.constant 0 : i32
      %dma_start3A_40 = tpu.memref_slice %arg9[%add3A_16, %dma_start3A_39] : memref<10112x128xf32, #tpu.memory_space<vmem_shared>> -> memref<128x128xf32, #tpu.memory_space<vmem_shared>>
      tpu.enqueue_dma source(%arg8 : memref<128x128xf32, #tpu.memory_space<vmem>>) target(%dma_start3A_40 : memref<128x128xf32, #tpu.memory_space<vmem_shared>>) target_semaphore(%run_scoped3A : memref<!tpu.dma_semaphore, #tpu.memory_space<semaphore_mem>>)
      %dma_wait3A = arith.constant 0 : i32
      %dma_wait3A_41 = tpu.memref_slice %arg9[%add3A_16, %dma_wait3A] : memref<10112x128xf32, #tpu.memory_space<vmem_shared>> -> memref<128x128xf32, #tpu.memory_space<vmem_shared>>
      %dma_wait3A_42 = arith.constant 0 : i32
      %dma_wait3A_43 = tpu.memref_slice %arg9[%add3A_16, %dma_wait3A_42] : memref<10112x128xf32, #tpu.memory_space<vmem_shared>> -> memref<128x128xf32, #tpu.memory_space<vmem_shared>>
      tpu.wait_dma2 semaphore(%run_scoped3A : memref<!tpu.dma_semaphore, #tpu.memory_space<semaphore_mem>>) src(%arg8 : memref<128x128xf32, #tpu.memory_space<vmem>>) dst(%dma_wait3A_43 : memref<128x128xf32, #tpu.memory_space<vmem_shared>>)
      tpu.yield
    }) : () -> ()
    %add3A_17 = arith.constant 512 : i32
    %add3A_18 = arith.addi %mul3A_2, %add3A_17 : i32
    "tpu.region"() ({
      %run_scoped3A = tpu.sem_alloc : memref<!tpu.dma_semaphore, #tpu.memory_space<semaphore_mem>>
      %dma_start3A = arith.constant 0 : i32
      %dma_start3A_38 = arith.constant 0 : i32
      %dma_start3A_39 = tpu.memref_slice %arg8[%dma_start3A, %dma_start3A_38] : memref<128x128xf32, #tpu.memory_space<vmem>> -> memref<120x128xf32, #tpu.memory_space<vmem>>
      %dma_start3A_40 = arith.constant 0 : i32
      %dma_start3A_41 = tpu.memref_slice %arg9[%add3A_18, %dma_start3A_40] : memref<10112x128xf32, #tpu.memory_space<vmem_shared>> -> memref<120x128xf32, #tpu.memory_space<vmem_shared>>
      %dma_start3A_42 = arith.constant 0 : i32
      %dma_start3A_43 = tpu.memref_slice %arg9[%add3A_18, %dma_start3A_42] : memref<10112x128xf32, #tpu.memory_space<vmem_shared>> -> memref<120x128xf32, #tpu.memory_space<vmem_shared>>
      %dma_start3A_44 = arith.constant 0 : i32
      %dma_start3A_45 = arith.constant 0 : i32
      %dma_start3A_46 = tpu.memref_slice %arg8[%dma_start3A_44, %dma_start3A_45] : memref<128x128xf32, #tpu.memory_space<vmem>> -> memref<120x128xf32, #tpu.memory_space<vmem>>
      tpu.enqueue_dma source(%dma_start3A_46 : memref<120x128xf32, #tpu.memory_space<vmem>>) target(%dma_start3A_43 : memref<120x128xf32, #tpu.memory_space<vmem_shared>>) target_semaphore(%run_scoped3A : memref<!tpu.dma_semaphore, #tpu.memory_space<semaphore_mem>>)
      %dma_wait3A = arith.constant 0 : i32
      %dma_wait3A_47 = arith.constant 0 : i32
      %dma_wait3A_48 = tpu.memref_slice %arg8[%dma_wait3A, %dma_wait3A_47] : memref<128x128xf32, #tpu.memory_space<vmem>> -> memref<120x128xf32, #tpu.memory_space<vmem>>
      %dma_wait3A_49 = arith.constant 0 : i32
      %dma_wait3A_50 = tpu.memref_slice %arg9[%add3A_18, %dma_wait3A_49] : memref<10112x128xf32, #tpu.memory_space<vmem_shared>> -> memref<120x128xf32, #tpu.memory_space<vmem_shared>>
      %dma_wait3A_51 = arith.constant 0 : i32
      %dma_wait3A_52 = tpu.memref_slice %arg9[%add3A_18, %dma_wait3A_51] : memref<10112x128xf32, #tpu.memory_space<vmem_shared>> -> memref<120x128xf32, #tpu.memory_space<vmem_shared>>
      %dma_wait3A_53 = arith.constant 0 : i32
      %dma_wait3A_54 = arith.constant 0 : i32
      %dma_wait3A_55 = tpu.memref_slice %arg8[%dma_wait3A_53, %dma_wait3A_54] : memref<128x128xf32, #tpu.memory_space<vmem>> -> memref<120x128xf32, #tpu.memory_space<vmem>>
      tpu.wait_dma2 semaphore(%run_scoped3A : memref<!tpu.dma_semaphore, #tpu.memory_space<semaphore_mem>>) src(%dma_wait3A_55 : memref<120x128xf32, #tpu.memory_space<vmem>>) dst(%dma_wait3A_52 : memref<120x128xf32, #tpu.memory_space<vmem_shared>>)
      tpu.yield
    }) : () -> ()
    %barrier3A = arith.constant 0 : index
    tpu.barrier barrier_id(%barrier3A)
    %eq3A = arith.constant 0 : i32
    %eq3A_19 = arith.cmpi eq, %arg0, %eq3A : i32
    %jit3A = arith.constant 105 : i32
    %jit3A_20 = arith.constant 53 : i32
    %select_n3A = arith.select %eq3A_19, %jit3A, %jit3A_20 : i32
    %while3A = arith.constant 0 : i32
    %while3A_21 = arith.constant 0 : i32
    %while3A_22 = arith.subi %select_n3A, %while3A_21 : i32
    %while3A_23 = arith.addi %while3A_21, %while3A_22 : i32
    %while3A_24 = arith.constant 1 : i32
    %while3A_25 = arith.divsi %while3A_22, %while3A_24 : i32
    %while3A_26 = arith.muli %while3A_25, %while3A_24 : i32
    %while3A_27 = arith.addi %while3A_21, %while3A_26 : i32
    %while3A_28 = arith.constant 1 : i32
    scf.for %while3A_38 = %while3A_21 to %while3A_27 step %while3A_28  : i32 {
      %dma_start3A = arith.constant 0 : i32
      %dma_start3A_39 = tpu.memref_slice %arg6[%while3A_38, %dma_start3A] : memref<105x128xi32, #tpu.memory_space<vmem>> -> memref<1x128xi32, #tpu.memory_space<vmem>>
      %dma_start3A_40 = tpu.memref_squeeze %dma_start3A_39 : memref<1x128xi32, #tpu.memory_space<vmem>> -> memref<128xi32, #tpu.memory_space<vmem>>
      %dma_start3A_41 = arith.constant 0 : i32
      %dma_start3A_42 = arith.constant 0 : i32
      %dma_start3A_43 = tpu.memref_slice %arg2[%dma_start3A_41, %dma_start3A_42] : memref<10000x128xf32, #tpu.memory_space<hbm>> -> memref<10000x128xf32, #tpu.memory_space<hbm>>
      tpu.enqueue_indirect_dma source(%dma_start3A_43 : memref<10000x128xf32, #tpu.memory_space<hbm>>) target(%arg8 : memref<128x128xf32, #tpu.memory_space<vmem>>) offsets(%dma_start3A_40 : memref<128xi32, #tpu.memory_space<vmem>>) semaphore(%arg10 : memref<!tpu.dma_semaphore, #tpu.memory_space<semaphore_mem>>)
      %dma_wait3A = arith.constant 0 : i32
      %dma_wait3A_44 = tpu.memref_slice %arg6[%while3A_38, %dma_wait3A] : memref<105x128xi32, #tpu.memory_space<vmem>> -> memref<1x128xi32, #tpu.memory_space<vmem>>
      %dma_wait3A_45 = tpu.memref_squeeze %dma_wait3A_44 : memref<1x128xi32, #tpu.memory_space<vmem>> -> memref<128xi32, #tpu.memory_space<vmem>>
      %dma_wait3A_46 = arith.constant 0 : i32
      %dma_wait3A_47 = arith.constant 0 : i32
      %dma_wait3A_48 = tpu.memref_slice %arg2[%dma_wait3A_46, %dma_wait3A_47] : memref<10000x128xf32, #tpu.memory_space<hbm>> -> memref<10000x128xf32, #tpu.memory_space<hbm>>
      tpu.wait_indirect_dma semaphore(%arg10 : memref<!tpu.dma_semaphore, #tpu.memory_space<semaphore_mem>>) src(%dma_wait3A_48 : memref<10000x128xf32, #tpu.memory_space<hbm>>) dst(%arg8 : memref<128x128xf32, #tpu.memory_space<vmem>>)
      "tpu.region"() ({
        %run_scoped3A = tpu.sem_alloc : memref<!tpu.dma_semaphore, #tpu.memory_space<semaphore_mem>>
        %dma_start3A_49 = arith.constant 0 : i32
        %dma_start3A_50 = tpu.memref_slice %arg7[%while3A_38, %dma_start3A_49] : memref<105x128xi32, #tpu.memory_space<vmem>> -> memref<1x128xi32, #tpu.memory_space<vmem>>
        %dma_start3A_51 = tpu.memref_squeeze %dma_start3A_50 : memref<1x128xi32, #tpu.memory_space<vmem>> -> memref<128xi32, #tpu.memory_space<vmem>>
        %dma_start3A_52 = arith.constant 0 : i32
        %dma_start3A_53 = arith.constant 0 : i32
        %dma_start3A_54 = tpu.memref_slice %arg9[%dma_start3A_52, %dma_start3A_53] : memref<10112x128xf32, #tpu.memory_space<vmem_shared>> -> memref<10112x128xf32, #tpu.memory_space<vmem_shared>>
        tpu.enqueue_indirect_dma source(%arg8 : memref<128x128xf32, #tpu.memory_space<vmem>>) target(%dma_start3A_54 : memref<10112x128xf32, #tpu.memory_space<vmem_shared>>) offsets(%dma_start3A_51 : memref<128xi32, #tpu.memory_space<vmem>>) semaphore(%run_scoped3A : memref<!tpu.dma_semaphore, #tpu.memory_space<semaphore_mem>>) {add = true}
        %dma_wait3A_55 = arith.constant 0 : i32
        %dma_wait3A_56 = tpu.memref_slice %arg7[%while3A_38, %dma_wait3A_55] : memref<105x128xi32, #tpu.memory_space<vmem>> -> memref<1x128xi32, #tpu.memory_space<vmem>>
        %dma_wait3A_57 = tpu.memref_squeeze %dma_wait3A_56 : memref<1x128xi32, #tpu.memory_space<vmem>> -> memref<128xi32, #tpu.memory_space<vmem>>
        %dma_wait3A_58 = arith.constant 0 : i32
        %dma_wait3A_59 = arith.constant 0 : i32
        %dma_wait3A_60 = tpu.memref_slice %arg9[%dma_wait3A_58, %dma_wait3A_59] : memref<10112x128xf32, #tpu.memory_space<vmem_shared>> -> memref<10112x128xf32, #tpu.memory_space<vmem_shared>>
        tpu.wait_indirect_dma semaphore(%run_scoped3A : memref<!tpu.dma_semaphore, #tpu.memory_space<semaphore_mem>>) src(%arg8 : memref<128x128xf32, #tpu.memory_space<vmem>>) dst(%dma_wait3A_60 : memref<10112x128xf32, #tpu.memory_space<vmem_shared>>)
        tpu.yield
      }) : () -> ()
    }
    %while3A_29 = arith.constant 1 : i32
    scf.for %while3A_38 = %while3A_27 to %while3A_23 step %while3A_29  : i32 {
      %dma_start3A = arith.constant 0 : i32
      %dma_start3A_39 = tpu.memref_slice %arg6[%while3A_38, %dma_start3A] : memref<105x128xi32, #tpu.memory_space<vmem>> -> memref<1x128xi32, #tpu.memory_space<vmem>>
      %dma_start3A_40 = tpu.memref_squeeze %dma_start3A_39 : memref<1x128xi32, #tpu.memory_space<vmem>> -> memref<128xi32, #tpu.memory_space<vmem>>
      %dma_start3A_41 = arith.constant 0 : i32
      %dma_start3A_42 = arith.constant 0 : i32
      %dma_start3A_43 = tpu.memref_slice %arg2[%dma_start3A_41, %dma_start3A_42] : memref<10000x128xf32, #tpu.memory_space<hbm>> -> memref<10000x128xf32, #tpu.memory_space<hbm>>
      tpu.enqueue_indirect_dma source(%dma_start3A_43 : memref<10000x128xf32, #tpu.memory_space<hbm>>) target(%arg8 : memref<128x128xf32, #tpu.memory_space<vmem>>) offsets(%dma_start3A_40 : memref<128xi32, #tpu.memory_space<vmem>>) semaphore(%arg10 : memref<!tpu.dma_semaphore, #tpu.memory_space<semaphore_mem>>)
      %dma_wait3A = arith.constant 0 : i32
      %dma_wait3A_44 = tpu.memref_slice %arg6[%while3A_38, %dma_wait3A] : memref<105x128xi32, #tpu.memory_space<vmem>> -> memref<1x128xi32, #tpu.memory_space<vmem>>
      %dma_wait3A_45 = tpu.memref_squeeze %dma_wait3A_44 : memref<1x128xi32, #tpu.memory_space<vmem>> -> memref<128xi32, #tpu.memory_space<vmem>>
      %dma_wait3A_46 = arith.constant 0 : i32
      %dma_wait3A_47 = arith.constant 0 : i32
      %dma_wait3A_48 = tpu.memref_slice %arg2[%dma_wait3A_46, %dma_wait3A_47] : memref<10000x128xf32, #tpu.memory_space<hbm>> -> memref<10000x128xf32, #tpu.memory_space<hbm>>
      tpu.wait_indirect_dma semaphore(%arg10 : memref<!tpu.dma_semaphore, #tpu.memory_space<semaphore_mem>>) src(%dma_wait3A_48 : memref<10000x128xf32, #tpu.memory_space<hbm>>) dst(%arg8 : memref<128x128xf32, #tpu.memory_space<vmem>>)
      "tpu.region"() ({
        %run_scoped3A = tpu.sem_alloc : memref<!tpu.dma_semaphore, #tpu.memory_space<semaphore_mem>>
        %dma_start3A_49 = arith.constant 0 : i32
        %dma_start3A_50 = tpu.memref_slice %arg7[%while3A_38, %dma_start3A_49] : memref<105x128xi32, #tpu.memory_space<vmem>> -> memref<1x128xi32, #tpu.memory_space<vmem>>
        %dma_start3A_51 = tpu.memref_squeeze %dma_start3A_50 : memref<1x128xi32, #tpu.memory_space<vmem>> -> memref<128xi32, #tpu.memory_space<vmem>>
        %dma_start3A_52 = arith.constant 0 : i32
        %dma_start3A_53 = arith.constant 0 : i32
        %dma_start3A_54 = tpu.memref_slice %arg9[%dma_start3A_52, %dma_start3A_53] : memref<10112x128xf32, #tpu.memory_space<vmem_shared>> -> memref<10112x128xf32, #tpu.memory_space<vmem_shared>>
        tpu.enqueue_indirect_dma source(%arg8 : memref<128x128xf32, #tpu.memory_space<vmem>>) target(%dma_start3A_54 : memref<10112x128xf32, #tpu.memory_space<vmem_shared>>) offsets(%dma_start3A_51 : memref<128xi32, #tpu.memory_space<vmem>>) semaphore(%run_scoped3A : memref<!tpu.dma_semaphore, #tpu.memory_space<semaphore_mem>>) {add = true}
        %dma_wait3A_55 = arith.constant 0 : i32
        %dma_wait3A_56 = tpu.memref_slice %arg7[%while3A_38, %dma_wait3A_55] : memref<105x128xi32, #tpu.memory_space<vmem>> -> memref<1x128xi32, #tpu.memory_space<vmem>>
        %dma_wait3A_57 = tpu.memref_squeeze %dma_wait3A_56 : memref<1x128xi32, #tpu.memory_space<vmem>> -> memref<128xi32, #tpu.memory_space<vmem>>
        %dma_wait3A_58 = arith.constant 0 : i32
        %dma_wait3A_59 = arith.constant 0 : i32
        %dma_wait3A_60 = tpu.memref_slice %arg9[%dma_wait3A_58, %dma_wait3A_59] : memref<10112x128xf32, #tpu.memory_space<vmem_shared>> -> memref<10112x128xf32, #tpu.memory_space<vmem_shared>>
        tpu.wait_indirect_dma semaphore(%run_scoped3A : memref<!tpu.dma_semaphore, #tpu.memory_space<semaphore_mem>>) src(%arg8 : memref<128x128xf32, #tpu.memory_space<vmem>>) dst(%dma_wait3A_60 : memref<10112x128xf32, #tpu.memory_space<vmem_shared>>)
        tpu.yield
      }) : () -> ()
    }
    %barrier3A_30 = arith.constant 0 : index
    tpu.barrier barrier_id(%barrier3A_30)
    %lt3A = arith.constant 15 : i32
    %lt3A_31 = arith.cmpi slt, %arg1, %lt3A : i32
    %convert_element_type3A = arith.extui %lt3A_31 : i1 to i32
    %cond3A = arith.constant 0 : i32
    %cond3A_32 = arith.cmpi ne, %convert_element_type3A, %cond3A : i32
    scf.if %cond3A_32 {
      "tpu.region"() ({
        %run_scoped3A = tpu.sem_alloc : memref<!tpu.dma_semaphore, #tpu.memory_space<semaphore_mem>>
        %dma_start3A = arith.constant 0 : i32
        %dma_start3A_38 = tpu.memref_slice %arg5[%arg0, %mul3A_2, %dma_start3A] : memref<2x10000x128xf32, #tpu.memory_space<hbm>> -> memref<1x632x128xf32, #tpu.memory_space<hbm>>
        %dma_start3A_39 = tpu.memref_squeeze %dma_start3A_38 : memref<1x632x128xf32, #tpu.memory_space<hbm>> -> memref<632x128xf32, #tpu.memory_space<hbm>>
        %dma_start3A_40 = arith.constant 0 : i32
        %dma_start3A_41 = tpu.memref_slice %arg9[%mul3A_2, %dma_start3A_40] : memref<10112x128xf32, #tpu.memory_space<vmem_shared>> -> memref<632x128xf32, #tpu.memory_space<vmem_shared>>
        tpu.enqueue_dma source(%dma_start3A_41 : memref<632x128xf32, #tpu.memory_space<vmem_shared>>) target(%dma_start3A_39 : memref<632x128xf32, #tpu.memory_space<hbm>>) target_semaphore(%run_scoped3A : memref<!tpu.dma_semaphore, #tpu.memory_space<semaphore_mem>>)
        %dma_wait3A = arith.constant 0 : i32
        %dma_wait3A_42 = tpu.memref_slice %arg5[%arg0, %mul3A_2, %dma_wait3A] : memref<2x10000x128xf32, #tpu.memory_space<hbm>> -> memref<1x632x128xf32, #tpu.memory_space<hbm>>
        %dma_wait3A_43 = tpu.memref_squeeze %dma_wait3A_42 : memref<1x632x128xf32, #tpu.memory_space<hbm>> -> memref<632x128xf32, #tpu.memory_space<hbm>>
        %dma_wait3A_44 = arith.constant 0 : i32
        %dma_wait3A_45 = tpu.memref_slice %arg9[%mul3A_2, %dma_wait3A_44] : memref<10112x128xf32, #tpu.memory_space<vmem_shared>> -> memref<632x128xf32, #tpu.memory_space<vmem_shared>>
        tpu.wait_dma2 semaphore(%run_scoped3A : memref<!tpu.dma_semaphore, #tpu.memory_space<semaphore_mem>>) src(%dma_wait3A_45 : memref<632x128xf32, #tpu.memory_space<vmem_shared>>) dst(%dma_wait3A_43 : memref<632x128xf32, #tpu.memory_space<hbm>>)
        tpu.yield
      }) : () -> ()
    } else {
    }
    %eq3A_33 = arith.constant 15 : i32
    %eq3A_34 = arith.cmpi eq, %arg1, %eq3A_33 : i32
    %convert_element_type3A_35 = arith.extui %eq3A_34 : i1 to i32
    %cond3A_36 = arith.constant 0 : i32
    %cond3A_37 = arith.cmpi ne, %convert_element_type3A_35, %cond3A_36 : i32
    scf.if %cond3A_37 {
      "tpu.region"() ({
        %run_scoped3A = tpu.sem_alloc : memref<!tpu.dma_semaphore, #tpu.memory_space<semaphore_mem>>
        %dma_start3A = arith.constant 0 : i32
        %dma_start3A_38 = tpu.memref_slice %arg5[%arg0, %mul3A_2, %dma_start3A] : memref<2x10000x128xf32, #tpu.memory_space<hbm>> -> memref<1x520x128xf32, #tpu.memory_space<hbm>>
        %dma_start3A_39 = tpu.memref_squeeze %dma_start3A_38 : memref<1x520x128xf32, #tpu.memory_space<hbm>> -> memref<520x128xf32, #tpu.memory_space<hbm>>
        %dma_start3A_40 = arith.constant 0 : i32
        %dma_start3A_41 = tpu.memref_slice %arg9[%mul3A_2, %dma_start3A_40] : memref<10112x128xf32, #tpu.memory_space<vmem_shared>> -> memref<520x128xf32, #tpu.memory_space<vmem_shared>>
        tpu.enqueue_dma source(%dma_start3A_41 : memref<520x128xf32, #tpu.memory_space<vmem_shared>>) target(%dma_start3A_39 : memref<520x128xf32, #tpu.memory_space<hbm>>) target_semaphore(%run_scoped3A : memref<!tpu.dma_semaphore, #tpu.memory_space<semaphore_mem>>)
        %dma_wait3A = arith.constant 0 : i32
        %dma_wait3A_42 = tpu.memref_slice %arg5[%arg0, %mul3A_2, %dma_wait3A] : memref<2x10000x128xf32, #tpu.memory_space<hbm>> -> memref<1x520x128xf32, #tpu.memory_space<hbm>>
        %dma_wait3A_43 = tpu.memref_squeeze %dma_wait3A_42 : memref<1x520x128xf32, #tpu.memory_space<hbm>> -> memref<520x128xf32, #tpu.memory_space<hbm>>
        %dma_wait3A_44 = arith.constant 0 : i32
        %dma_wait3A_45 = tpu.memref_slice %arg9[%mul3A_2, %dma_wait3A_44] : memref<10112x128xf32, #tpu.memory_space<vmem_shared>> -> memref<520x128xf32, #tpu.memory_space<vmem_shared>>
        tpu.wait_dma2 semaphore(%run_scoped3A : memref<!tpu.dma_semaphore, #tpu.memory_space<semaphore_mem>>) src(%dma_wait3A_45 : memref<520x128xf32, #tpu.memory_space<vmem_shared>>) dst(%dma_wait3A_43 : memref<520x128xf32, #tpu.memory_space<hbm>>)
        tpu.yield
      }) : () -> ()
    } else {
    }
    return
  }
}

module attributes {stable_mosaic.version = 14 : i64} {
  func.func @_tdis_body(%arg0: memref<32x10240xf32, #tpu.memory_space<vmem>>, %arg1: memref<10240x1xf32, #tpu.memory_space<vmem>>) attributes {dimension_semantics = [], scalar_prefetch = 0 : i64, scratch_operands = 0 : i64, tpu.core_type = #tpu.core_type<tc>} {
    %get3A = arith.constant 0 : index
    %get3A_0 = arith.constant 0 : index
    %get3A_1 = vector.load %arg0[%get3A, %get3A_0] : memref<32x10240xf32, #tpu.memory_space<vmem>>, vector<32x10240xf32>
    %reduce_sum3A = arith.constant dense<0.000000e+00> : vector<10240xf32>
    %reduce_sum3A_2 = vector.multi_reduction <add>, %get3A_1, %reduce_sum3A [0] : vector<32x10240xf32> to vector<10240xf32>
    %add3A = arith.constant 1.000000e+00 : f32
    %add3A_3 = vector.broadcast %add3A : f32 to vector<10240xf32>
    %add3A_4 = arith.addf %reduce_sum3A_2, %add3A_3 : vector<10240xf32>
    %rsqrt3A = math.rsqrt %add3A_4 : vector<10240xf32>
    %broadcast_in_dim3A = vector.shape_cast %rsqrt3A : vector<10240xf32> to vector<10240x1xf32>
    %swap3A = arith.constant 0 : index
    %swap3A_5 = arith.constant 0 : index
    %swap3A_6 = vector.load %arg1[%swap3A, %swap3A_5] : memref<10240x1xf32, #tpu.memory_space<vmem>>, vector<10240x1xf32>
    tpu.vector_store %arg1[%swap3A, %swap3A_5], %broadcast_in_dim3A {strides = array<i32>} : memref<10240x1xf32, #tpu.memory_space<vmem>>, vector<10240x1xf32>,
    return
  }
}

module attributes {stable_mosaic.version = 14 : i64} {
  func.func @_t1_body(%arg0: i32, %arg1: memref<400x128xf32, #tpu.memory_space<vmem>>, %arg2: memref<128x128xf32, #tpu.memory_space<vmem>>, %arg3: memref<400x1xf32, #tpu.memory_space<vmem>>, %arg4: memref<400x128xf32, #tpu.memory_space<vmem>>) attributes {dimension_semantics = [#tpu.dimension_semantics<arbitrary>], iteration_bounds = array<i64: 25>, scalar_prefetch = 0 : i64, scratch_operands = 0 : i64, tpu.core_type = #tpu.core_type<tc>, window_params = [{transform_indices = @transform_0, window_bounds = array<i64: 400, 128>}, {pipeline_mode = #tpu.pipeline_mode<synchronous>, transform_indices = @transform_1, window_bounds = array<i64: 128, 128>}, {transform_indices = @transform_2, window_bounds = array<i64: 400, 1>}, {transform_indices = @transform_3, window_bounds = array<i64: 400, 128>}]} {
    %get3A = arith.constant 0 : index
    %get3A_0 = arith.constant 0 : index
    %get3A_1 = vector.load %arg1[%get3A, %get3A_0] : memref<400x128xf32, #tpu.memory_space<vmem>>, vector<400x128xf32>
    %get3A_2 = arith.constant 0 : index
    %get3A_3 = arith.constant 0 : index
    %get3A_4 = vector.load %arg2[%get3A_2, %get3A_3] : memref<128x128xf32, #tpu.memory_space<vmem>>, vector<128x128xf32>
    %dot_general3A = arith.constant dense<0.000000e+00> : vector<400x128xf32>
    %dot_general3A_5 = tpu.matmul %get3A_1, %get3A_4, %dot_general3A {dimension_numbers = #tpu.dot_dimension_numbers<[1], [0], [0], [1], [0, 0, 1, 1], [], []>, precision = #tpu.contract_precision<fp32>, transpose_lhs_hint = false} : vector<400x128xf32>, vector<128x128xf32>, vector<400x128xf32> -> vector<400x128xf32>
    %get3A_6 = arith.constant 0 : index
    %get3A_7 = arith.constant 0 : index
    %get3A_8 = vector.load %arg3[%get3A_6, %get3A_7] : memref<400x1xf32, #tpu.memory_space<vmem>>, vector<400x1xf32>
    %mul3A = vector.broadcast %get3A_8 : vector<400x1xf32> to vector<400x128xf32>
    %mul3A_9 = arith.mulf %dot_general3A_5, %mul3A : vector<400x128xf32>
    %swap3A = arith.constant 0 : index
    %swap3A_10 = arith.constant 0 : index
    %swap3A_11 = vector.load %arg4[%swap3A, %swap3A_10] : memref<400x128xf32, #tpu.memory_space<vmem>>, vector<400x128xf32>
    tpu.vector_store %arg4[%swap3A, %swap3A_10], %mul3A_9 {strides = array<i32>} : memref<400x128xf32, #tpu.memory_space<vmem>>, vector<400x128xf32>,
    return
  }
  func.func @transform_0(%arg0: i32) -> (i32, i32) {
    %c0_i32 = arith.constant 0 : i32
    %c0_i32_0 = arith.constant 0 : i32
    return %arg0, %c0_i32 : i32, i32
  }
  func.func @transform_1(%arg0: i32) -> (i32, i32) {
    %c0_i32 = arith.constant 0 : i32
    %c0_i32_0 = arith.constant 0 : i32
    %c0_i32_1 = arith.constant 0 : i32
    return %c0_i32, %c0_i32_0 : i32, i32
  }
  func.func @transform_2(%arg0: i32) -> (i32, i32) {
    %c0_i32 = arith.constant 0 : i32
    %c0_i32_0 = arith.constant 0 : i32
    return %arg0, %c0_i32 : i32, i32
  }
  func.func @transform_3(%arg0: i32) -> (i32, i32) {
    %c0_i32 = arith.constant 0 : i32
    %c0_i32_0 = arith.constant 0 : i32
    return %arg0, %c0_i32 : i32, i32
  }
}

module attributes {stable_mosaic.version = 14 : i64} {
  func.func @_tmid_body(%arg0: i32, %arg1: memref<2x400x128xf32, #tpu.memory_space<vmem>>, %arg2: memref<400x128xf32, #tpu.memory_space<vmem>>, %arg3: memref<400x1xf32, #tpu.memory_space<vmem>>, %arg4: memref<1x128xf32, #tpu.memory_space<vmem>>, %arg5: memref<128x128xf32, #tpu.memory_space<vmem>>, %arg6: memref<400x128xf32, #tpu.memory_space<vmem>>) attributes {dimension_semantics = [#tpu.dimension_semantics<arbitrary>], iteration_bounds = array<i64: 25>, scalar_prefetch = 0 : i64, scratch_operands = 0 : i64, tpu.core_type = #tpu.core_type<tc>, window_params = [{transform_indices = @transform_0, window_bounds = array<i64: 2, 400, 128>}, {transform_indices = @transform_1, window_bounds = array<i64: 400, 128>}, {transform_indices = @transform_2, window_bounds = array<i64: 400, 1>}, {pipeline_mode = #tpu.pipeline_mode<synchronous>, transform_indices = @transform_3, window_bounds = array<i64: 1, 128>}, {pipeline_mode = #tpu.pipeline_mode<synchronous>, transform_indices = @transform_4, window_bounds = array<i64: 128, 128>}, {transform_indices = @transform_5, window_bounds = array<i64: 400, 128>}]} {
    %get3A = arith.constant 0 : index
    %get3A_0 = arith.constant 0 : index
    %get3A_1 = vector.load %arg3[%get3A, %get3A_0] : memref<400x1xf32, #tpu.memory_space<vmem>>, vector<400x1xf32>
    %get3A_2 = arith.constant 0 : index
    %get3A_3 = arith.constant 0 : index
    %get3A_4 = arith.constant 0 : index
    %get3A_5 = vector.load %arg1[%get3A_2, %get3A_3, %get3A_4] : memref<2x400x128xf32, #tpu.memory_space<vmem>>, vector<1x400x128xf32>
    %get3A_6 = vector.shape_cast %get3A_5 : vector<1x400x128xf32> to vector<400x128xf32>
    %get3A_7 = arith.constant 1 : index
    %get3A_8 = arith.constant 0 : index
    %get3A_9 = arith.constant 0 : index
    %get3A_10 = vector.load %arg1[%get3A_7, %get3A_8, %get3A_9] : memref<2x400x128xf32, #tpu.memory_space<vmem>>, vector<1x400x128xf32>
    %get3A_11 = vector.shape_cast %get3A_10 : vector<1x400x128xf32> to vector<400x128xf32>
    %add3A = arith.addf %get3A_6, %get3A_11 : vector<400x128xf32>
    %get3A_12 = arith.constant 0 : index
    %get3A_13 = arith.constant 0 : index
    %get3A_14 = vector.load %arg2[%get3A_12, %get3A_13] : memref<400x128xf32, #tpu.memory_space<vmem>>, vector<400x128xf32>
    %add3A_15 = arith.addf %add3A, %get3A_14 : vector<400x128xf32>
    %mul3A = vector.broadcast %get3A_1 : vector<400x1xf32> to vector<400x128xf32>
    %mul3A_16 = arith.mulf %mul3A, %add3A_15 : vector<400x128xf32>
    %get3A_17 = arith.constant 0 : index
    %get3A_18 = arith.constant 0 : index
    %get3A_19 = vector.load %arg4[%get3A_17, %get3A_18] : memref<1x128xf32, #tpu.memory_space<vmem>>, vector<1x128xf32>
    %add3A_20 = vector.broadcast %get3A_19 : vector<1x128xf32> to vector<400x128xf32>
    %add3A_21 = arith.addf %mul3A_16, %add3A_20 : vector<400x128xf32>
    %ge3A = arith.constant 0.000000e+00 : f32
    %ge3A_22 = vector.broadcast %ge3A : f32 to vector<400x128xf32>
    %ge3A_23 = arith.cmpf oge, %add3A_21, %ge3A_22 : vector<400x128xf32>
    %mul3A_24 = arith.constant 0.00999999977 : f32
    %mul3A_25 = vector.broadcast %mul3A_24 : f32 to vector<400x128xf32>
    %mul3A_26 = arith.mulf %mul3A_25, %add3A_21 : vector<400x128xf32>
    %select_n3A = arith.select %ge3A_23, %add3A_21, %mul3A_26 : vector<400x128xi1>, vector<400x128xf32>
    %get3A_27 = arith.constant 0 : index
    %get3A_28 = arith.constant 0 : index
    %get3A_29 = vector.load %arg5[%get3A_27, %get3A_28] : memref<128x128xf32, #tpu.memory_space<vmem>>, vector<128x128xf32>
    %dot_general3A = arith.constant dense<0.000000e+00> : vector<400x128xf32>
    %dot_general3A_30 = tpu.matmul %select_n3A, %get3A_29, %dot_general3A {dimension_numbers = #tpu.dot_dimension_numbers<[1], [0], [0], [1], [0, 0, 1, 1], [], []>, precision = #tpu.contract_precision<fp32>, transpose_lhs_hint = false} : vector<400x128xf32>, vector<128x128xf32>, vector<400x128xf32> -> vector<400x128xf32>
    %mul3A_31 = vector.broadcast %get3A_1 : vector<400x1xf32> to vector<400x128xf32>
    %mul3A_32 = arith.mulf %dot_general3A_30, %mul3A_31 : vector<400x128xf32>
    %swap3A = arith.constant 0 : index
    %swap3A_33 = arith.constant 0 : index
    %swap3A_34 = vector.load %arg6[%swap3A, %swap3A_33] : memref<400x128xf32, #tpu.memory_space<vmem>>, vector<400x128xf32>
    tpu.vector_store %arg6[%swap3A, %swap3A_33], %mul3A_32 {strides = array<i32>} : memref<400x128xf32, #tpu.memory_space<vmem>>, vector<400x128xf32>,
    return
  }
  func.func @transform_0(%arg0: i32) -> (i32, i32, i32) {
    %c0_i32 = arith.constant 0 : i32
    %c0_i32_0 = arith.constant 0 : i32
    %c0_i32_1 = arith.constant 0 : i32
    return %c0_i32, %arg0, %c0_i32_0 : i32, i32, i32
  }
  func.func @transform_1(%arg0: i32) -> (i32, i32) {
    %c0_i32 = arith.constant 0 : i32
    %c0_i32_0 = arith.constant 0 : i32
    return %arg0, %c0_i32 : i32, i32
  }
  func.func @transform_2(%arg0: i32) -> (i32, i32) {
    %c0_i32 = arith.constant 0 : i32
    %c0_i32_0 = arith.constant 0 : i32
    return %arg0, %c0_i32 : i32, i32
  }
  func.func @transform_3(%arg0: i32) -> (i32, i32) {
    %c0_i32 = arith.constant 0 : i32
    %c0_i32_0 = arith.constant 0 : i32
    %c0_i32_1 = arith.constant 0 : i32
    return %c0_i32, %c0_i32_0 : i32, i32
  }
  func.func @transform_4(%arg0: i32) -> (i32, i32) {
    %c0_i32 = arith.constant 0 : i32
    %c0_i32_0 = arith.constant 0 : i32
    %c0_i32_1 = arith.constant 0 : i32
    return %c0_i32, %c0_i32_0 : i32, i32
  }
  func.func @transform_5(%arg0: i32) -> (i32, i32) {
    %c0_i32 = arith.constant 0 : i32
    %c0_i32_0 = arith.constant 0 : i32
    return %arg0, %c0_i32 : i32, i32
  }
}

module attributes {stable_mosaic.version = 14 : i64} {
  func.func @_t4_body(%arg0: i32, %arg1: memref<2x400x128xf32, #tpu.memory_space<vmem>>, %arg2: memref<400x128xf32, #tpu.memory_space<vmem>>, %arg3: memref<400x1xf32, #tpu.memory_space<vmem>>, %arg4: memref<1x128xf32, #tpu.memory_space<vmem>>, %arg5: memref<400x128xf32, #tpu.memory_space<vmem>>) attributes {dimension_semantics = [#tpu.dimension_semantics<arbitrary>], iteration_bounds = array<i64: 25>, scalar_prefetch = 0 : i64, scratch_operands = 0 : i64, tpu.core_type = #tpu.core_type<tc>, window_params = [{transform_indices = @transform_0, window_bounds = array<i64: 2, 400, 128>}, {transform_indices = @transform_1, window_bounds = array<i64: 400, 128>}, {transform_indices = @transform_2, window_bounds = array<i64: 400, 1>}, {pipeline_mode = #tpu.pipeline_mode<synchronous>, transform_indices = @transform_3, window_bounds = array<i64: 1, 128>}, {transform_indices = @transform_4, window_bounds = array<i64: 400, 128>}]} {
    %get3A = arith.constant 0 : index
    %get3A_0 = arith.constant 0 : index
    %get3A_1 = vector.load %arg3[%get3A, %get3A_0] : memref<400x1xf32, #tpu.memory_space<vmem>>, vector<400x1xf32>
    %get3A_2 = arith.constant 0 : index
    %get3A_3 = arith.constant 0 : index
    %get3A_4 = arith.constant 0 : index
    %get3A_5 = vector.load %arg1[%get3A_2, %get3A_3, %get3A_4] : memref<2x400x128xf32, #tpu.memory_space<vmem>>, vector<1x400x128xf32>
    %get3A_6 = vector.shape_cast %get3A_5 : vector<1x400x128xf32> to vector<400x128xf32>
    %get3A_7 = arith.constant 1 : index
    %get3A_8 = arith.constant 0 : index
    %get3A_9 = arith.constant 0 : index
    %get3A_10 = vector.load %arg1[%get3A_7, %get3A_8, %get3A_9] : memref<2x400x128xf32, #tpu.memory_space<vmem>>, vector<1x400x128xf32>
    %get3A_11 = vector.shape_cast %get3A_10 : vector<1x400x128xf32> to vector<400x128xf32>
    %add3A = arith.addf %get3A_6, %get3A_11 : vector<400x128xf32>
    %get3A_12 = arith.constant 0 : index
    %get3A_13 = arith.constant 0 : index
    %get3A_14 = vector.load %arg2[%get3A_12, %get3A_13] : memref<400x128xf32, #tpu.memory_space<vmem>>, vector<400x128xf32>
    %add3A_15 = arith.addf %add3A, %get3A_14 : vector<400x128xf32>
    %mul3A = vector.broadcast %get3A_1 : vector<400x1xf32> to vector<400x128xf32>
    %mul3A_16 = arith.mulf %mul3A, %add3A_15 : vector<400x128xf32>
    %get3A_17 = arith.constant 0 : index
    %get3A_18 = arith.constant 0 : index
    %get3A_19 = vector.load %arg4[%get3A_17, %get3A_18] : memref<1x128xf32, #tpu.memory_space<vmem>>, vector<1x128xf32>
    %add3A_20 = vector.broadcast %get3A_19 : vector<1x128xf32> to vector<400x128xf32>
    %add3A_21 = arith.addf %mul3A_16, %add3A_20 : vector<400x128xf32>
    %swap3A = arith.constant 0 : index
    %swap3A_22 = arith.constant 0 : index
    %swap3A_23 = vector.load %arg5[%swap3A, %swap3A_22] : memref<400x128xf32, #tpu.memory_space<vmem>>, vector<400x128xf32>
    tpu.vector_store %arg5[%swap3A, %swap3A_22], %add3A_21 {strides = array<i32>} : memref<400x128xf32, #tpu.memory_space<vmem>>, vector<400x128xf32>,
    return
  }
  func.func @transform_0(%arg0: i32) -> (i32, i32, i32) {
    %c0_i32 = arith.constant 0 : i32
    %c0_i32_0 = arith.constant 0 : i32
    %c0_i32_1 = arith.constant 0 : i32
    return %c0_i32, %arg0, %c0_i32_0 : i32, i32, i32
  }
  func.func @transform_1(%arg0: i32) -> (i32, i32) {
    %c0_i32 = arith.constant 0 : i32
    %c0_i32_0 = arith.constant 0 : i32
    return %arg0, %c0_i32 : i32, i32
  }
  func.func @transform_2(%arg0: i32) -> (i32, i32) {
    %c0_i32 = arith.constant 0 : i32
    %c0_i32_0 = arith.constant 0 : i32
    return %arg0, %c0_i32 : i32, i32
  }
  func.func @transform_3(%arg0: i32) -> (i32, i32) {
    %c0_i32 = arith.constant 0 : i32
    %c0_i32_0 = arith.constant 0 : i32
    %c0_i32_1 = arith.constant 0 : i32
    return %c0_i32, %c0_i32_0 : i32, i32
  }
  func.func @transform_4(%arg0: i32) -> (i32, i32) {
    %c0_i32 = arith.constant 0 : i32
    %c0_i32_0 = arith.constant 0 : i32
    return %arg0, %c0_i32 : i32, i32
  }
}

</mosaic_0001>

<sc_bundles>
// kernel: kernel.11.cloned.1.call-start
scs
__scs_entry_jumppad:
0x0: {  	(pc) =	sbr.rel $0x88, $3  }
0x1: {  	(tag) =	ssettag $0x0;
	lr =	simm.s32 $0x1  }
0x2: {  	[smem:$0x3F97] =	sst lr;
	_ =	strace $0xD0000000  }
0x3: {  	_ = 	snop  }
0x4: {  	_ = 	snop  }
0x5: {  	_ = 	snop  }
0x6: {  	_ = 	snop  }
0x7: {  	_ = 	snop  }
__scs_overlays_trampoline_lowered:
0x8: {  	[smem:$0x3FA6] =	sst s0  }
0x9: {  	[smem:$0x3FA7] =	sst s1  }
0xa: {  	[smem:$0x3FA8] =	sst s2  }
0xb: {  	[smem:$0x3FA9] =	sst s3  }
0xc: {  	[smem:$0x3FAA] =	sst s4  }
0xd: {  	[smem:$0x3FAB] =	sst s5  }
0xe: {  	[smem:$0x3FAC] =	sst s6  }
0xf: {  	[smem:$0x3FAD] =	sst s7  }
0x10: {  	[smem:$0x3FAE] =	sst s8  }
0x11: {  	[smem:$0x3FAF] =	sst s9;
	s0 =	simm.s32 @!p0 $0x0  }
0x12: {  	s1 =	sld [smem:$0x3F95];
	s0 =	simm.s32 @p0 $0x1  }
0x13: {  	[smem:$0x3FB0] =	sst s0;
	s0 =	simm.s32 @!p1 $0x0  }
0x14: {  	s2 =	sld [smem:$0x3F94];
	s0 =	simm.s32 @p1 $0x1  }
0x15: {  	[smem:$0x3FB1] =	sst s0;
	s0 =	simm.s32 @!p2 $0x0  }
0x16: {  	s3 =	sld [smem:$0x3FDB];
	s0 =	simm.s32 @p2 $0x1  }
0x17: {  	s4 =	simm.s32 $0x1BF5;
	[smem:$0x3FB3] =	sst s0  }
0x18: {  	s0 =	sld [smem:$0x3F96];
	_ =	swait.ge [sflag:s4], $0x0  }
0x19: {  	s7 =	sld [smem:$0x3F97]  }
0x1a: {  	s8 =	sadd.s32 $0xFFFFE003, lr  }
0x1b: {  	s9 =	sadd.s32 $0xFFFFFEF7, lr;
	s5 =	simm.s32 $0xFFFFFFFF;
	p2 =	slt.u32 s8, $0xFFFFF086  }
0x1c: {  	p1 =	slt.u32 s9, $0xF7A;
	s5 =	simm.s32 @!p2 $0x0  }
0x1d: {  	s5 =	simm.s32 @p1 $0x1;
	p0 =	seq.s32 s7, s2  }
0x1e: {  	s7 =	smul.u32 @!p0 $0xF7A, s2;
	p2 =	seq.s32 @!p0 s5, $0x0  }
0x1f: {  	s9 =	smul.u32 $0xF7A, s1;
	s8 =	simm.s32 @!p0 $0x1BF5;
	p2 =	por !p2, p0  }
0x20: {  	[sflag:s8] =	ssyncset.s32 @!p0 $0xFFFFF086;
	s6 =	sadd.s32 @!p0 s3, s7;
	s7 =	simm.s32 @!p0 $0x108  }
0x21: {  	s3 =	sadd.s32 s3, s9;
	s6 =	sadd.s32 @!p0 $0x88, s6;
	s7 =	simm.s32 @p2 $0x1082  }
0x22: {  	[simem:s7], [sflag:s8] =	dma.local @!p0 [hbm:s6], $0xF7A  }
0x23: {  	s9 =	sor.u32 $0xD0000000, s2;
	s6 =	simm.s32 $0x108;
	_ =	swait.ge @!p0 [sflag:s8], $0x0  }
0x24: {  	s3 =	sadd.s32 $0x88, s3;
	s6 =	simm.s32 @!p1 $0x1082;
	[sflag:s4] =	ssyncset.s32 $0xFFFFF086  }
0x25: {  	[simem:s6], [sflag:s4] =	dma.local [hbm:s3], $0xF7A  }
0x26: {  	[smem:$0x3F97] =	sst s1;
	(tag) =	ssettag s2;
	_ =	strace s9  }
0x27: {  	s1 =	sld [smem:$0x3FA7]  }
0x28: {  	s2 =	sld [smem:$0x3FA8]  }
0x29: {  	s4 =	sld [smem:$0x3FAA]  }
0x2a: {  	p0 =	seq.s32 s5, $0x0;
	s5 =	sld [smem:$0x3FAB]  }
0x2b: {  	s6 =	sld [smem:$0x3FAC]  }
0x2c: {  	s7 =	sld [smem:$0x3FAD]  }
0x2d: {  	s3 =	simm.s32 $0x108;
	s8 =	sld [smem:$0x3FAE]  }
0x2e: {  	s3 =	simm.s32 @!p0 $0x1082;
	s9 =	sld [smem:$0x3FAF]  }
0x2f: {  	lr =	sadd.s32 s0, s3;
	s0 =	sld [smem:$0x3FA6]  }
0x30: {  	s3 =	sld [smem:$0x3FA9]  }
0x31: {  	[smem:$0x3FB2] =	sst s10  }
0x32: {  	s10 =	sld [smem:$0x3FB0];
	_ =	sdelay $0x3  }
0x33: {  	p0 =	seq.s32 s10, $0x1;
	s10 =	sld [smem:$0x3FB2];
	_ =	sdelay $0x3  }
0x34: {  	[smem:$0x3FB2] =	sst s10  }
0x35: {  	s10 =	sld [smem:$0x3FB1];
	_ =	sdelay $0x3  }
0x36: {  	p1 =	seq.s32 s10, $0x1;
	s10 =	sld [smem:$0x3FB2];
	_ =	sdelay $0x3  }
0x37: {  	[smem:$0x3FB2] =	sst s10  }
0x38: {  	s10 =	sld [smem:$0x3FB3]  }
0x39: {  	_ = 	snop;
	(pc) =	sbr.ind lr, $3  }
0x3a: {  	_ = 	snop  }
0x3b: {  	_ = 	snop  }
0x3c: {  	p2 =	seq.s32 s10, $0x1;
	s10 =	sld [smem:$0x3FB2]  }
0x3d: {  	_ =	shalt  }
0x3e: {  	_ =	shalt  }
0x3f: {  	_ =	shalt  }
0x40: {  	_ =	shalt  }
0x41: {  	_ =	shalt  }
0x42: {  	_ =	shalt  }
0x43: {  	_ =	shalt  }
0x44: {  	_ =	shalt  }
0x45: {  	_ =	shalt  }
0x46: {  	_ =	shalt  }
0x47: {  	_ =	shalt  }
0x48: {  	_ =	shalt  }
0x49: {  	_ =	shalt  }
0x4a: {  	_ =	shalt  }
0x4b: {  	_ =	shalt  }
0x4c: {  	_ =	shalt  }
0x4d: {  	_ =	shalt  }
0x4e: {  	_ =	shalt  }
0x4f: {  	_ =	shalt  }
0x50: {  	_ =	shalt  }
0x51: {  	_ =	shalt  }
0x52: {  	_ =	shalt  }
0x53: {  	_ =	shalt  }
0x54: {  	_ =	shalt  }
0x55: {  	_ =	shalt  }
0x56: {  	_ =	shalt  }
0x57: {  	_ =	shalt  }
0x58: {  	_ =	shalt  }
0x59: {  	_ =	shalt  }
0x5a: {  	_ =	shalt  }
0x5b: {  	_ =	shalt  }
0x5c: {  	_ =	shalt  }
0x5d: {  	_ =	shalt  }
0x5e: {  	_ =	shalt  }
0x5f: {  	_ =	shalt  }
0x60: {  	_ =	shalt  }
0x61: {  	_ =	shalt  }
0x62: {  	_ =	shalt  }
0x63: {  	_ =	shalt  }
0x64: {  	_ =	shalt  }
0x65: {  	_ =	shalt  }
0x66: {  	_ =	shalt  }
0x67: {  	_ =	shalt  }
0x68: {  	_ =	shalt  }
0x69: {  	_ =	shalt  }
0x6a: {  	_ =	shalt  }
0x6b: {  	_ =	shalt  }
0x6c: {  	_ =	shalt  }
0x6d: {  	_ =	shalt  }
0x6e: {  	_ =	shalt  }
0x6f: {  	_ =	shalt  }
0x70: {  	_ =	shalt  }
0x71: {  	_ =	shalt  }
0x72: {  	_ =	shalt  }
0x73: {  	_ =	shalt  }
0x74: {  	_ =	shalt  }
0x75: {  	_ =	shalt  }
0x76: {  	_ =	shalt  }
0x77: {  	_ =	shalt  }
0x78: {  	_ =	shalt  }
0x79: {  	_ =	shalt  }
0x7a: {  	_ =	shalt  }
0x7b: {  	_ =	shalt  }
0x7c: {  	_ =	shalt  }
0x7d: {  	_ =	shalt  }
0x7e: {  	_ =	shalt  }
0x7f: {  	_ =	shalt  }
0x80: {  	_ =	shalt  }
0x81: {  	_ =	shalt  }
0x82: {  	_ =	shalt  }
0x83: {  	_ =	shalt  }
0x84: {  	_ =	shalt  }
0x85: {  	_ =	shalt  }
0x86: {  	_ =	shalt  }
0x87: {  	_ =	shalt  }
.Lfunc_end0:
.L_simem_size_0:
called_computation_lowered:
.L_overlay_start_0:
0x88: {  	s2 =	sld [smem:$0x3FD9]  }
0x89: {  	s3 =	sld [smem:$0x3FFE];
	_ =	sdelay $0x1  }
0x8a: {  	s1 =	srdreg.scid  }
0x8b: {  	s0 =	sand.u32 $0x1, s1  }
0x8c: {  	s16 =	sshll.u32 s0, $0xA;
	s2 =	sadd.s32 s3, s2  }
0x8d: {  	s2 =	sadd.s32 s2, s16  }
0x8e: {  	[smem:$0x3FBE] =	sst s2  }
0x8f: {  	_ = 	snop  }
0x90: {  	(tm) =	ssettm $0x1  }
0x91: {  	s17 =	sld [smem:$0x3FFB];
	_ =	sdelay $0x3  }
0x92: {  	_ =	strace s17  }
0x93: {  	s2 =	sld [smem:$0x3FFC];
	_ =	sdelay $0x3  }
0x94: {  	_ =	strace s2  }
0x95: {  	s2 =	sld [smem:$0x3FFD];
	_ =	sdelay $0x3  }
0x96: {  	_ =	strace s2  }
0x97: {  	_ =	strace $0x8FFFFFFF  }
0x98: {  	s18 =	sld [smem:$0x3FDB];
	_ =	sdelay $0x1  }
0x99: {  	s19 =	simm.s32 $_scs_section_size  }
0x9a: {  	s4 =	simm.s32 $_size__tile_overlayer_lowered;
	s5 =	simm.s32 $_tile_overlayer_lowered  }
0x9b: {  	s22 =	simm.s32 $0x1BFF;
	s21 =	sshll.u32 s5, $0x1;
	s2 =	sadd.s32 s19, s18  }
0x9c: {  	s6 =	simm.s32 $0x0;
	s20 =	sshll.u32 s4, $0x1;
	s4 =	sadd.s32 s21, s2  }
0x9d: {  	[timem:s6], [sflag:s22] =	dma.local [hbm:s4], s20  }
0x9e: {  	_ =	swait.ge [sflag:s22], s20  }
0x9f: {  	s3 =	ssub.s32 $0x0, s20;
	[sflag:s22] =	ssyncset.done $0x0  }
0xa0: {  	[sflag:s22] =	ssyncadd.s32 s3;
	_ =	sdelay $0x1  }
0xa1: {  	s23 =	simm.s32 $0x1B8B  }
0xa2: {  	_ =	swait.ge [sflag:s23], $0x1  }
0xa3: {  	[sflag:s23] =	ssyncset.done $0x0  }
0xa4: {  	s25 =	simm.s32 $0x1B8E;
	s24 =	sld [smem:$0x3FFE];
	[sflag:s23] =	ssyncadd.s32 $0xFFFFFFFF  }
0xa5: {  	s26 =	simm.s32 $execute0_lowered;
	[smem:$0x3FD2] =	sst s25  }
0xa6: {  	s4 =	sshll.u32 s26, $0x1;
	_ =	strace $0x80000046;
	[dreg:$0x1] =	wrdreg $0xFFFFFFFF  }
0xa7: {  	s28 =	simm.s32 $_size_execute0_lowered;
	s2 =	sadd.s32 s2, s4;
	[dreg:$0x0] =	wrdreg $0x0  }
0xa8: {  	s4 =	sshll.u32 s28, $0x1;
	[dreg:$0x2] =	wrdreg s2  }
0xa9: {  	[dreg:$0x3] =	wrdreg s4  }
0xaa: {  	[dreg:$0x4] =	wrdreg $0xC0  }
0xab: {  	_ =	task [dreg:s6], $0x5FFFF  }
0xac: {  	[dreg:$0x1] =	wrdreg $0xFFFFFFFF  }
0xad: {  	[dreg:$0x0] =	wrdreg $0x60  }
0xae: {  	[dreg:$0x2] =	wrdreg s24  }
0xaf: {  	[dreg:$0x3] =	wrdreg $0x9  }
0xb0: {  	_ =	task.clear_ibuf [dreg:s6], $0x4FFFF;
	_ =	strace $0x90000046  }
0xb1: {  	s29 =	simm.s32 $0x9;
	_ =	strace $0x80000048  }
0xb2: {  	_ =	swait.ge [sflag:s29], $0x1  }
0xb3: {  	[sflag:s29] =	ssyncadd.s32 $0xFFFFFFFF  }
0xb4: {  	_ =	strace $0x90000048  }
0xb5: {  	_ =	sfence  }
0xb6: {  	s30 =	sld [smem:$0x0];
	_ =	sdelay $0x2  }
0xb7: {  	s31 =	sshll.u32 s1, $0xD;
	s1 =	sshrl.u32 s1, $0x2  }
0xb8: {  	s3 =	sand.u32 $0x4000, s31;
	s1 =	sadd.s32 s1, s30  }
0xb9: {  	s0 =	sor.u32 s3, s0;
	s1 =	sshll.u32 s1, $0x11  }
0xba: {  	s0 =	sor.u32 s1, s0  }
0xbb: {  	s0 =	sadd.s32 $0x8F2B, s0  }
0xbc: {  	[sflag:s0] =	ssyncadd.remote.s32 $0x1  }
0xbd: {  	_ =	sfence.sel $0xFFFF  }
0xbe: {  	[dreg:$0x0] =	wrdreg $0xFFFFFFFF;
	(pc) =	sbr.abs _section_cstart, $3  }
0xbf: {  	[dreg:$0x1] =	wrdreg $0xFFFFFFFF  }
0xc0: {  	_ =	task.clear_ibuf [dreg:s6], $0x2FFFF;
	_ =	strace $0x9FFFFFFF  }
0xc1: {  	(tm) =	ssettm $0x7FFFFFFF  }
tec
execute0_lowered:
.L_overlay_start_1:
0x0: {  	(tag) =	ssettag $0x1  }
0x1: {  	s0 =	srdreg.scid  }
0x2: {  	s3 =	sand.u32 $0x1, s0  }
0x3: {  	s0 =	stileid.u32;
	s1 =	sshll.u32 s3, $0x4  }
0x4: {  	s5 =	rddreg [dreg:$0x0];
	s2 =	simm.s32 $0x0;
	s1 =	sor.u32 s0, s1  }
0x5: {  	s7 =	simm.s32 $0x400;
	s8 =	simm.s32 $0x1;
	s1 =	sshrl.u32 s1, $0x3  }
0x6: {  	s9 =	simm.s32 $0x2800;
	s30 =	sshll.u32 s0, $0x7;
	s4 =	smul.u32 $0x14000, s1  }
0x7: {  	s10 =	simm.s32 $0x0;
	s3 =	ssub.s32 $0x2, s3;
	s6 =	sand.u32 $0x380, s30  }
0x8: {  	[smem:$0x7FF] =	sst s2;
	s31 =	sshrl.u32 s3, $0x1;
	s4 =	sor.u32 s6, s4  }
0x9: {  	s1 =	rddreg [dreg:$0x1];
	_ =	strace $0x80000047;
	s4 =	sshrl.u32 s4, $0x3  }
0xa: {  	s6 =	simm.s32 $0x80;
	s4 =	sadd.s32 s4, s5;
	s5 =	ssub.s32 s3, s31  }
0xb: {  	v0 =	vimm.f32 $0.0e+00;
	v1 =	vimm.f32 $1.000000000e+00;
	s3 =	sadd.s32 $0x2A00, s4;
	s4 =	sadd.s32 $0xCA00, s4;
	s5 =	smax.u32 s5, $0x1  }
.LBB2_1:
0xc: {  	[tilespmem:s2], [sflag:$0x1] =	stream.strided.gather [hbm4b:s3+s6], $0x2800, s7, s6, $0x38;
	[tilespmem:$0x5000] =	vst v63  }
0xd: {  	_ =	swait.ge [sflag:s8], $0x2800  }
0xe: {  	[sflag:s8] =	ssyncset.done $0x0  }
0xf: {  	s11 =	simm.s32 $0x0;
	[sflag:s8] =	ssyncadd.s32 $0xFFFFD800  }
.LBB2_2:
0x10: {  	p0 =	sne.s32 s11, $0x9FC0  }
.Ltmp0:
0x11: {  	_ = 	snop;
	(pc) =	sbr.rel @p0 .LBB2_2-.Ltmp0, $3  }
0x12: {  	_ =	sdelay $0x1  }
0x13: {  	s12 =	sshra.s32 s11, $0x2  }
0x14: {  	s11 =	sadd.s32 $0x40, s11;
	[tilespmem:s12+$0x2800] =	vst v0  }
0x15: {  	s12 =	simm.s32 $0x0;
	s11 =	simm.s32 $0x40  }
.LBB2_4:
0x16: {  	p0 =	sne.s32 s11, $0x9FC0;
	v2 =	vld [tilespmem:s12+$0x0];
	_ =	sdelay $0x3  }
.Ltmp1:
0x17: {  	(pc) =	sbr.rel @p0 .LBB2_4-.Ltmp1, $2  }
0x18: {  	_ =	sdelay $0x2  }
0x19: {  	s12 =	sshra.s32 s11, $0x2;
	s11 =	sadd.s32 $0x40, s11;
	[tilespmem:v2+s9+$0x0] =	vst.idx.add.f32.msk $0xffff, v1  }
0x1a: {  	v2 =	vld [tilespmem:s12+$0x0];
	_ =	sdelay $0x5  }
0x1b: {  	s10 =	sadd.s32 $0x1, s10  }
0x1c: {  	p0 =	sne.s32 s10, s5  }
.Ltmp2:
0x1d: {  	[tilespmem:v2+s9+$0x0] =	vst.idx.add.f32.msk $0xffff, v1;
	(pc) =	sbr.rel @p0 .LBB2_1-.Ltmp2, $4  }
0x1e: {  	[hbm4b:s4+s6] =	stream.strided.scatter [tilespmem:s9], [sflag:$0x1], $0x2800, s7, s6, $0x38;
	[tilespmem:$0x5000] =	vst v63  }
0x1f: {  	_ =	swait.ge [sflag:s8], $0x2800  }
0x20: {  	[sflag:s8] =	ssyncset.done $0x0  }
0x21: {  	[sflag:s8] =	ssyncadd.s32 $0xFFFFD800  }
0x22: {  	_ =	sfence.sel $0x180000  }
0x23: {  	[bflag:$0x0] =	sbarrier.arrive $0xFFFF  }
0x24: {  	p0 =	sne.s32 s0, $0x0;
	_ =	strace $0x90000047  }
0x25: {  	s0 =	sadd.s32 @!p0 $0x100000, s1;
	[bflag:$0x2] =	sbarrier.arrive $0xFFFF  }
0x26: {  	[sflag:s0] =	ssyncadd.tile.s32 @!p0 $0x1;
	_ =	shalt  }
.Lfunc_end2:
_tile_overlayer_lowered:
.L_overlay_start_2:
0x27: {  	(tag) =	ssettag $0x2  }
0x28: {  	s0 =	rddreg [dreg:$0x0];
	s2 =	stileid.u32  }
0x29: {  	s1 =	rddreg [dreg:$0x1];
	p0 =	sne.s32 s2, $0x0  }
0x2a: {  	s3 =	rddreg [dreg:$0x2];
	[bflag:$0x3] =	sbarrier.arrive $0xFFFF;
	s2 =	simm.s32 @!p0 $0x1C01  }
0x2b: {  	[timem:s3], [sflag:s2] =	dma.local @!p0 [hbm:s0], s1  }
0x2c: {  	s0 =	simm.s32 @!p0 $0x1  }
0x2d: {  	_ =	swait.ge @!p0 [sflag:s0], s1  }
0x2e: {  	s1 =	ssub.s32 @!p0 $0x0, s1;
	[sflag:s0] =	ssyncset.done @!p0 $0x0  }
0x2f: {  	[sflag:s0] =	ssyncadd.s32 @!p0 s1  }
0x30: {  	[bflag:$0x3] =	sbarrier.arrive $0xFFFF  }
0x31: {  	_ =	shalt  }

// kernel: kernel.14.cloned.1.call-start
scs
__scs_entry_jumppad:
0x0: {  	(pc) =	sbr.rel $0x88, $3  }
0x1: {  	(tag) =	ssettag $0x0;
	lr =	simm.s32 $0x1  }
0x2: {  	[smem:$0x3F97] =	sst lr;
	_ =	strace $0xD0000000  }
0x3: {  	_ = 	snop  }
0x4: {  	_ = 	snop  }
0x5: {  	_ = 	snop  }
0x6: {  	_ = 	snop  }
0x7: {  	_ = 	snop  }
__scs_overlays_trampoline_lowered:
0x8: {  	[smem:$0x3FA6] =	sst s0  }
0x9: {  	[smem:$0x3FA7] =	sst s1  }
0xa: {  	[smem:$0x3FA8] =	sst s2  }
0xb: {  	[smem:$0x3FA9] =	sst s3  }
0xc: {  	[smem:$0x3FAA] =	sst s4  }
0xd: {  	[smem:$0x3FAB] =	sst s5  }
0xe: {  	[smem:$0x3FAC] =	sst s6  }
0xf: {  	[smem:$0x3FAD] =	sst s7  }
0x10: {  	[smem:$0x3FAE] =	sst s8  }
0x11: {  	[smem:$0x3FAF] =	sst s9;
	s0 =	simm.s32 @!p0 $0x0  }
0x12: {  	s1 =	sld [smem:$0x3F95];
	s0 =	simm.s32 @p0 $0x1  }
0x13: {  	[smem:$0x3FB0] =	sst s0;
	s0 =	simm.s32 @!p1 $0x0  }
0x14: {  	s2 =	sld [smem:$0x3F94];
	s0 =	simm.s32 @p1 $0x1  }
0x15: {  	[smem:$0x3FB1] =	sst s0;
	s0 =	simm.s32 @!p2 $0x0  }
0x16: {  	s3 =	sld [smem:$0x3FDB];
	s0 =	simm.s32 @p2 $0x1  }
0x17: {  	s4 =	simm.s32 $0x1BF5;
	[smem:$0x3FB3] =	sst s0  }
0x18: {  	s0 =	sld [smem:$0x3F96];
	_ =	swait.ge [sflag:s4], $0x0  }
0x19: {  	s7 =	sld [smem:$0x3F97]  }
0x1a: {  	s8 =	sadd.s32 $0xFFFFE003, lr  }
0x1b: {  	s9 =	sadd.s32 $0xFFFFFEF7, lr;
	s5 =	simm.s32 $0xFFFFFFFF;
	p2 =	slt.u32 s8, $0xFFFFF086  }
0x1c: {  	p1 =	slt.u32 s9, $0xF7A;
	s5 =	simm.s32 @!p2 $0x0  }
0x1d: {  	s5 =	simm.s32 @p1 $0x1;
	p0 =	seq.s32 s7, s2  }
0x1e: {  	s7 =	smul.u32 @!p0 $0xF7A, s2;
	p2 =	seq.s32 @!p0 s5, $0x0  }
0x1f: {  	s9 =	smul.u32 $0xF7A, s1;
	s8 =	simm.s32 @!p0 $0x1BF5;
	p2 =	por !p2, p0  }
0x20: {  	[sflag:s8] =	ssyncset.s32 @!p0 $0xFFFFF086;
	s6 =	sadd.s32 @!p0 s3, s7;
	s7 =	simm.s32 @!p0 $0x108  }
0x21: {  	s3 =	sadd.s32 s3, s9;
	s6 =	sadd.s32 @!p0 $0x88, s6;
	s7 =	simm.s32 @p2 $0x1082  }
0x22: {  	[simem:s7], [sflag:s8] =	dma.local @!p0 [hbm:s6], $0xF7A  }
0x23: {  	s9 =	sor.u32 $0xD0000000, s2;
	s6 =	simm.s32 $0x108;
	_ =	swait.ge @!p0 [sflag:s8], $0x0  }
0x24: {  	s3 =	sadd.s32 $0x88, s3;
	s6 =	simm.s32 @!p1 $0x1082;
	[sflag:s4] =	ssyncset.s32 $0xFFFFF086  }
0x25: {  	[simem:s6], [sflag:s4] =	dma.local [hbm:s3], $0xF7A  }
0x26: {  	[smem:$0x3F97] =	sst s1;
	(tag) =	ssettag s2;
	_ =	strace s9  }
0x27: {  	s1 =	sld [smem:$0x3FA7]  }
0x28: {  	s2 =	sld [smem:$0x3FA8]  }
0x29: {  	s4 =	sld [smem:$0x3FAA]  }
0x2a: {  	p0 =	seq.s32 s5, $0x0;
	s5 =	sld [smem:$0x3FAB]  }
0x2b: {  	s6 =	sld [smem:$0x3FAC]  }
0x2c: {  	s7 =	sld [smem:$0x3FAD]  }
0x2d: {  	s3 =	simm.s32 $0x108;
	s8 =	sld [smem:$0x3FAE]  }
0x2e: {  	s3 =	simm.s32 @!p0 $0x1082;
	s9 =	sld [smem:$0x3FAF]  }
0x2f: {  	lr =	sadd.s32 s0, s3;
	s0 =	sld [smem:$0x3FA6]  }
0x30: {  	s3 =	sld [smem:$0x3FA9]  }
0x31: {  	[smem:$0x3FB2] =	sst s10  }
0x32: {  	s10 =	sld [smem:$0x3FB0];
	_ =	sdelay $0x3  }
0x33: {  	p0 =	seq.s32 s10, $0x1;
	s10 =	sld [smem:$0x3FB2];
	_ =	sdelay $0x3  }
0x34: {  	[smem:$0x3FB2] =	sst s10  }
0x35: {  	s10 =	sld [smem:$0x3FB1];
	_ =	sdelay $0x3  }
0x36: {  	p1 =	seq.s32 s10, $0x1;
	s10 =	sld [smem:$0x3FB2];
	_ =	sdelay $0x3  }
0x37: {  	[smem:$0x3FB2] =	sst s10  }
0x38: {  	s10 =	sld [smem:$0x3FB3]  }
0x39: {  	_ = 	snop;
	(pc) =	sbr.ind lr, $3  }
0x3a: {  	_ = 	snop  }
0x3b: {  	_ = 	snop  }
0x3c: {  	p2 =	seq.s32 s10, $0x1;
	s10 =	sld [smem:$0x3FB2]  }
0x3d: {  	_ =	shalt  }
0x3e: {  	_ =	shalt  }
0x3f: {  	_ =	shalt  }
0x40: {  	_ =	shalt  }
0x41: {  	_ =	shalt  }
0x42: {  	_ =	shalt  }
0x43: {  	_ =	shalt  }
0x44: {  	_ =	shalt  }
0x45: {  	_ =	shalt  }
0x46: {  	_ =	shalt  }
0x47: {  	_ =	shalt  }
0x48: {  	_ =	shalt  }
0x49: {  	_ =	shalt  }
0x4a: {  	_ =	shalt  }
0x4b: {  	_ =	shalt  }
0x4c: {  	_ =	shalt  }
0x4d: {  	_ =	shalt  }
0x4e: {  	_ =	shalt  }
0x4f: {  	_ =	shalt  }
0x50: {  	_ =	shalt  }
0x51: {  	_ =	shalt  }
0x52: {  	_ =	shalt  }
0x53: {  	_ =	shalt  }
0x54: {  	_ =	shalt  }
0x55: {  	_ =	shalt  }
0x56: {  	_ =	shalt  }
0x57: {  	_ =	shalt  }
0x58: {  	_ =	shalt  }
0x59: {  	_ =	shalt  }
0x5a: {  	_ =	shalt  }
0x5b: {  	_ =	shalt  }
0x5c: {  	_ =	shalt  }
0x5d: {  	_ =	shalt  }
0x5e: {  	_ =	shalt  }
0x5f: {  	_ =	shalt  }
0x60: {  	_ =	shalt  }
0x61: {  	_ =	shalt  }
0x62: {  	_ =	shalt  }
0x63: {  	_ =	shalt  }
0x64: {  	_ =	shalt  }
0x65: {  	_ =	shalt  }
0x66: {  	_ =	shalt  }
0x67: {  	_ =	shalt  }
0x68: {  	_ =	shalt  }
0x69: {  	_ =	shalt  }
0x6a: {  	_ =	shalt  }
0x6b: {  	_ =	shalt  }
0x6c: {  	_ =	shalt  }
0x6d: {  	_ =	shalt  }
0x6e: {  	_ =	shalt  }
0x6f: {  	_ =	shalt  }
0x70: {  	_ =	shalt  }
0x71: {  	_ =	shalt  }
0x72: {  	_ =	shalt  }
0x73: {  	_ =	shalt  }
0x74: {  	_ =	shalt  }
0x75: {  	_ =	shalt  }
0x76: {  	_ =	shalt  }
0x77: {  	_ =	shalt  }
0x78: {  	_ =	shalt  }
0x79: {  	_ =	shalt  }
0x7a: {  	_ =	shalt  }
0x7b: {  	_ =	shalt  }
0x7c: {  	_ =	shalt  }
0x7d: {  	_ =	shalt  }
0x7e: {  	_ =	shalt  }
0x7f: {  	_ =	shalt  }
0x80: {  	_ =	shalt  }
0x81: {  	_ =	shalt  }
0x82: {  	_ =	shalt  }
0x83: {  	_ =	shalt  }
0x84: {  	_ =	shalt  }
0x85: {  	_ =	shalt  }
0x86: {  	_ =	shalt  }
0x87: {  	_ =	shalt  }
.Lfunc_end0:
.L_simem_size_0:
called_computation.1_lowered:
.L_overlay_start_0:
0x88: {  	s2 =	sld [smem:$0x3FD9]  }
0x89: {  	s3 =	sld [smem:$0x3FFE];
	_ =	sdelay $0x1  }
0x8a: {  	s1 =	srdreg.scid  }
0x8b: {  	s0 =	sand.u32 $0x1, s1  }
0x8c: {  	s14 =	sshll.u32 s0, $0xA;
	s2 =	sadd.s32 s3, s2  }
0x8d: {  	s2 =	sadd.s32 s2, s14  }
0x8e: {  	[smem:$0x3FBE] =	sst s2  }
0x8f: {  	_ = 	snop  }
0x90: {  	s2 =	sld [smem:$0x3FD0];
	_ =	sdelay $0x2  }
0x91: {  	s15 =	simm.s32 $0xA;
	s4 =	simm.s32 $0x10  }
0x92: {  	[smem:s4], [sflag:s15] =	dma.local [hbm:s2], $0x1  }
0x93: {  	_ =	swait.eq [sflag:s15], $0x1  }
0x94: {  	[sflag:s15] =	ssyncset.done $0x0  }
0x95: {  	s16 =	sld [smem:$0x10];
	[sflag:s15] =	ssyncadd.s32 $0xFFFFFFFF  }
0x96: {  	s17 =	sld [smem:$0x11];
	(tm) =	ssettm $0x1  }
0x97: {  	s18 =	sld [smem:$0x3FFB];
	_ =	sdelay $0x3  }
0x98: {  	_ =	strace s18  }
0x99: {  	s4 =	sld [smem:$0x3FFC];
	_ =	sdelay $0x3  }
0x9a: {  	_ =	strace s4  }
0x9b: {  	s4 =	sld [smem:$0x3FFD];
	_ =	sdelay $0x3  }
0x9c: {  	_ =	strace s4  }
0x9d: {  	_ =	strace $0x8FFFFFFF  }
0x9e: {  	s19 =	sld [smem:$0x3FDB];
	_ =	sdelay $0x1  }
0x9f: {  	s5 =	simm.s32 $_scs_section_size  }
0xa0: {  	s6 =	simm.s32 $_size__tile_overlayer_lowered;
	s7 =	simm.s32 $_tile_overlayer_lowered  }
0xa1: {  	s22 =	simm.s32 $0x1BFF;
	s21 =	sshll.u32 s7, $0x1;
	s4 =	sadd.s32 s5, s19  }
0xa2: {  	s8 =	simm.s32 $0x0;
	s20 =	sshll.u32 s6, $0x1;
	s6 =	sadd.s32 s21, s4  }
0xa3: {  	[timem:s8], [sflag:s22] =	dma.local [hbm:s6], s20  }
0xa4: {  	_ =	swait.ge [sflag:s22], s20  }
0xa5: {  	s5 =	ssub.s32 $0x0, s20;
	[sflag:s22] =	ssyncset.done $0x0  }
0xa6: {  	[sflag:s22] =	ssyncadd.s32 s5;
	_ =	sdelay $0x1  }
0xa7: {  	s23 =	simm.s32 $0x1B8B  }
0xa8: {  	_ =	swait.ge [sflag:s23], $0x1  }
0xa9: {  	[sflag:s23] =	ssyncset.done $0x0  }
0xaa: {  	s25 =	simm.s32 $0x1B8E;
	s24 =	sld [smem:$0x3FFE];
	[sflag:s23] =	ssyncadd.s32 $0xFFFFFFFF  }
0xab: {  	s26 =	simm.s32 $execute0_lowered;
	[smem:$0x3FD2] =	sst s25  }
0xac: {  	s6 =	sshll.u32 s26, $0x1;
	_ =	strace $0x80000049;
	[dreg:$0x1] =	wrdreg $0xFFFFFFFF  }
0xad: {  	s28 =	simm.s32 $_size_execute0_lowered;
	s4 =	sadd.s32 s4, s6;
	[dreg:$0x0] =	wrdreg $0x0  }
0xae: {  	s6 =	sshll.u32 s28, $0x1;
	[dreg:$0x2] =	wrdreg s4  }
0xaf: {  	[dreg:$0x3] =	wrdreg s6  }
0xb0: {  	[dreg:$0x4] =	wrdreg $0xC0  }
0xb1: {  	_ =	task [dreg:s8], $0x5FFFF  }
0xb2: {  	[dreg:$0x1] =	wrdreg $0xFFFFFFFF  }
0xb3: {  	[dreg:$0x0] =	wrdreg $0x60  }
0xb4: {  	[dreg:$0x2] =	wrdreg s24  }
0xb5: {  	[dreg:$0x3] =	wrdreg s17  }
0xb6: {  	[dreg:$0x4] =	wrdreg s16  }
0xb7: {  	[dreg:$0x5] =	wrdreg $0xB0000  }
0xb8: {  	[dreg:$0x6] =	wrdreg $0x9  }
0xb9: {  	_ =	task.clear_ibuf [dreg:s8], $0x7FFFF;
	_ =	strace $0x90000049  }
0xba: {  	s29 =	simm.s32 $0x9;
	_ =	strace $0x8000004B  }
0xbb: {  	_ =	swait.ge [sflag:s29], $0x1  }
0xbc: {  	[sflag:s29] =	ssyncadd.s32 $0xFFFFFFFF  }
0xbd: {  	_ =	strace $0x9000004B  }
0xbe: {  	_ =	sfence  }
0xbf: {  	s30 =	sld [smem:$0x0];
	_ =	sdelay $0x2  }
0xc0: {  	s31 =	sshll.u32 s1, $0xD;
	s1 =	sshrl.u32 s1, $0x2  }
0xc1: {  	s3 =	sand.u32 $0x4000, s31;
	s1 =	sadd.s32 s1, s30  }
0xc2: {  	s0 =	sor.u32 s3, s0;
	s1 =	sshll.u32 s1, $0x11  }
0xc3: {  	s0 =	sor.u32 s1, s0  }
0xc4: {  	s0 =	sadd.s32 $0x8F2B, s0  }
0xc5: {  	[sflag:s0] =	ssyncadd.remote.s32 $0x1  }
0xc6: {  	_ =	sfence.sel $0xFFFF  }
0xc7: {  	[dreg:$0x0] =	wrdreg $0xFFFFFFFF;
	(pc) =	sbr.abs _section_cstart, $3  }
0xc8: {  	[dreg:$0x1] =	wrdreg $0xFFFFFFFF  }
0xc9: {  	_ =	task.clear_ibuf [dreg:s8], $0x2FFFF;
	_ =	strace $0x9FFFFFFF  }
0xca: {  	(tm) =	ssettm $0x7FFFFFFF  }
0xcb: {  	_ =	shalt  }
tec
execute0_lowered:
.L_overlay_start_1:
0x0: {  	(tag) =	ssettag $0x1  }
0x1: {  	s5 =	rddreg [dreg:$0x0]  }
0x2: {  	s6 =	rddreg [dreg:$0x1]  }
0x3: {  	s7 =	rddreg [dreg:$0x2]  }
0x4: {  	s0 =	srdreg.scid;
	s2 =	rddreg [dreg:$0x3]  }
0x5: {  	s1 =	stileid.u32;
	s3 =	simm.s32 $0x0;
	s18 =	simm.s32 $0x7000  }
0x6: {  	s19 =	simm.s32 $0x80;
	s20 =	simm.s32 $0x1;
	s21 =	simm.s32 $0x0  }
0x7: {  	s12 =	sand.u32 $0x1, s0;
	s0 =	rddreg [dreg:$0x4];
	s11 =	smul.u32 $0x4F000, s1  }
0x8: {  	[smem:$0x7FF] =	sst s3;
	s14 =	sadd.s32 $0x29C00, s5;
	s16 =	smul.u32 $0x13C00, s1  }
0x9: {  	s4 =	sshll.u32 s12, $0x4;
	s8 =	ssub.s32 $0x2, s12;
	_ =	strace $0x8000004A  }
0xa: {  	s13 =	smul.u32 $0x138800, s12;
	p0 =	seq.s32 s12, $0x0;
	s12 =	simm.s32 $0x69  }
0xb: {  	s4 =	sor.u32 s1, s4;
	s10 =	sshrl.u32 s8, $0x1;
	s31 =	sshrl.u32 s11, $0x2  }
0xc: {  	s12 =	simm.s32 @!p0 $0x35;
	p0 =	seq.s32 s1, $0xF;
	s9 =	smul.u32 $0x700, s4  }
0xd: {  	s4 =	sadd.s32 $0x2A00, s5;
	s15 =	ssub.s32 s8, s10;
	s16 =	sadd.s32 s16, s13  }
0xe: {  	s17 =	sshrl.u32 s13, $0x3;
	s16 =	sshrl.u32 s16, $0x3;
	s15 =	smax.u32 s15, $0x1  }
0xf: {  	s5 =	sadd.s32 s6, s9;
	s6 =	sadd.s32 s7, s9;
	s7 =	sadd.s32 s31, s2  }
0x10: {  	s13 =	sadd.s32 s14, s16;
	s14 =	sadd.s32 s14, s17;
	s16 =	simm.s32 $0x2  }
0x11: {  	s17 =	simm.s32 $0x3800;
	s8 =	sadd.s32 $0x4000, s7;
	s9 =	sadd.s32 $0x8000, s7  }
0x12: {  	v0 =	vimm.f32 $0.0e+00;
	s10 =	sadd.s32 $0xC000, s7;
	s11 =	sadd.s32 $0x10000, s7;
	s14 =	sadd.s32 $0x25080, s14  }
.LBB2_1:
0x13: {  	[tilespmem:s3], [sflag:$0x2] =	stream.linear.gather [hbm4b:s5+s3], $0x3480, $0x38;
	[tilespmem:$0x1EC00] =	vst v63  }
0x14: {  	_ =	swait.ge [sflag:s16], $0x3480  }
0x15: {  	[sflag:s16] =	ssyncset.done $0x0  }
0x16: {  	[sflag:s16] =	ssyncadd.s32 $0xFFFFCB80  }
0x17: {  	[tilespmem:s17], [sflag:$0x2] =	stream.linear.gather [hbm4b:s6+s3], $0x3480, $0x38;
	[tilespmem:$0x1EC00] =	vst v63  }
0x18: {  	_ =	swait.ge [sflag:s16], $0x3480  }
0x19: {  	[sflag:s16] =	ssyncset.done $0x0  }
0x1a: {  	s22 =	simm.s32 $0x0;
	s23 =	simm.s32 $0x200;
	[sflag:s16] =	ssyncadd.s32 $0xFFFFCB80  }
.LBB2_2:
0x1b: {  	p1 =	sne.s32 s23, $0xFE00;
	[tilespmem:s22+$0x7070] =	vst v0  }
0x1c: {  	[tilespmem:s22+$0x7000] =	vst v0  }
0x1d: {  	[tilespmem:s22+$0x7010] =	vst v0  }
.Ltmp0:
0x1e: {  	[tilespmem:s22+$0x7020] =	vst v0;
	(pc) =	sbr.rel @p1 .LBB2_2-.Ltmp0, $4  }
0x1f: {  	[tilespmem:s22+$0x7030] =	vst v0  }
0x20: {  	[tilespmem:s22+$0x7040] =	vst v0  }
0x21: {  	[tilespmem:s22+$0x7050] =	vst v0  }
0x22: {  	[tilespmem:s22+$0x7060] =	vst v0;
	s22 =	sshra.s32 s23, $0x2;
	s23 =	sadd.s32 $0x200, s23  }
0x23: {  	[tilespmem:s22+$0x7070] =	vst v0  }
0x24: {  	[tilespmem:s22+$0x7000] =	vst v0  }
0x25: {  	[tilespmem:s22+$0x7010] =	vst v0  }
0x26: {  	[tilespmem:s22+$0x7020] =	vst v0  }
0x27: {  	[tilespmem:s22+$0x7030] =	vst v0  }
0x28: {  	[tilespmem:s22+$0x7040] =	vst v0  }
0x29: {  	[tilespmem:s22+$0x7050] =	vst v0  }
0x2a: {  	[tilespmem:s22+$0x7060] =	vst v0  }
0x2b: {  	[spmem:s7] =	stream.linear.scatter [tilespmem:s18], [sflag:$0x2], $0x4000, $0x38;
	[tilespmem:$0x1EC00] =	vst v63  }
0x2c: {  	_ =	swait.ge [sflag:s16], $0x4000  }
0x2d: {  	[sflag:s16] =	ssyncset.done $0x0  }
0x2e: {  	[sflag:s16] =	ssyncadd.s32 $0xFFFFC000  }
0x2f: {  	[spmem:s8] =	stream.linear.scatter [tilespmem:s18], [sflag:$0x2], $0x4000, $0x38;
	[tilespmem:$0x1EC00] =	vst v63  }
0x30: {  	_ =	swait.ge [sflag:s16], $0x4000  }
0x31: {  	[sflag:s16] =	ssyncset.done $0x0  }
0x32: {  	[sflag:s16] =	ssyncadd.s32 $0xFFFFC000  }
0x33: {  	[spmem:s9] =	stream.linear.scatter [tilespmem:s18], [sflag:$0x2], $0x4000, $0x38;
	[tilespmem:$0x1EC00] =	vst v63  }
0x34: {  	_ =	swait.ge [sflag:s16], $0x4000  }
0x35: {  	[sflag:s16] =	ssyncset.done $0x0  }
0x36: {  	[sflag:s16] =	ssyncadd.s32 $0xFFFFC000  }
0x37: {  	[spmem:s10] =	stream.linear.scatter [tilespmem:s18], [sflag:$0x2], $0x4000, $0x38;
	[tilespmem:$0x1EC00] =	vst v63  }
0x38: {  	_ =	swait.ge [sflag:s16], $0x4000  }
0x39: {  	[sflag:s16] =	ssyncset.done $0x0  }
0x3a: {  	[sflag:s16] =	ssyncadd.s32 $0xFFFFC000  }
0x3b: {  	[spmem:s11] =	stream.linear.scatter [tilespmem:s18], [sflag:$0x2], $0x3C00, $0x38;
	[tilespmem:$0x1EC00] =	vst v63  }
0x3c: {  	_ =	swait.ge [sflag:s16], $0x3C00  }
0x3d: {  	[sflag:s16] =	ssyncset.done $0x0  }
0x3e: {  	[sflag:s16] =	ssyncadd.s32 $0xFFFFC400  }
0x3f: {  	s22 =	simm.s32 $0x0;
	[bflag:$0x0] =	sbarrier.arrive $0xFFFF  }
0x40: {  	[tilespmem:s18], [sflag:$0x1] =	stream.indirect.gather [hbm4b:s4+s19], $0x80, s22, s19, $0xb8;
	[tilespmem:$0x1EC00] =	vst v63  }
0x41: {  	p1 =	sne.s32 s12, $0x1;
	_ =	swait.ge [sflag:s20], $0x4000  }
.Ltmp1:
0x42: {  	[sflag:s20] =	ssyncset.done $0x0;
	(pc) =	sbr.rel @!p1 .LBB2_5-.Ltmp1, $4  }
0x43: {  	s23 =	simm.s32 $0x3800;
	[sflag:s20] =	ssyncadd.s32 $0xFFFFC000  }
0x44: {  	[spmem:s2] =	stream.indirect.scatter.add.f32 [tilespmem:s18], [sflag:$0x2], $0x80, s23, s19, $0xb8;
	[tilespmem:$0x1EC00] =	vst v63  }
0x45: {  	_ =	swait.ge [sflag:s16], $0x4000  }
0x46: {  	s24 =	sadd.s32 $0xFFFFFFFF, s12;
	[sflag:s16] =	ssyncset.done $0x0  }
.LBB2_4:
0x47: {  	[sflag:s16] =	ssyncadd.s32 $0xFFFFC000;
	s22 =	sadd.s32 $0x80, s22;
	s23 =	sadd.s32 $0x80, s23  }
0x48: {  	[tilespmem:s18], [sflag:$0x1] =	stream.indirect.gather [hbm4b:s4+s19], $0x80, s22, s19, $0xb8;
	[tilespmem:$0x1EC00] =	vst v63  }
0x49: {  	p1 =	sne.s32 s24, $0x1;
	s24 =	sadd.s32 $0xFFFFFFFF, s24;
	_ =	swait.ge [sflag:s20], $0x4000  }
.Ltmp2:
0x4a: {  	[sflag:s20] =	ssyncset.done $0x0;
	(pc) =	sbr.rel @p1 .LBB2_4-.Ltmp2, $4  }
0x4b: {  	[sflag:s20] =	ssyncadd.s32 $0xFFFFC000  }
0x4c: {  	[spmem:s2] =	stream.indirect.scatter.add.f32 [tilespmem:s18], [sflag:$0x2], $0x80, s23, s19, $0xb8;
	[tilespmem:$0x1EC00] =	vst v63  }
0x4d: {  	_ =	swait.ge [sflag:s16], $0x4000  }
0x4e: {  	[sflag:s16] =	ssyncset.done $0x0  }
.LBB2_5:
0x4f: {  	[sflag:s16] =	ssyncadd.s32 $0xFFFFC000  }
0x50: {  	s22 =	sshrl.u32 @p0 s7, $0x3;
	s23 =	simm.s32 @p0 $0x1FC2;
	[bflag:$0x0] =	sbarrier.arrive $0xFFFF  }
0x51: {  	[hbm:s14], [sflag:s23] =	dma.local @p0 [spmem:s22], $0x2080  }
0x52: {  	s22 =	simm.s32 @p0 $0x2  }
0x53: {  	s21 =	sadd.s32 $0x1, s21;
	_ =	swait.ge @p0 [sflag:s22], $0x2080  }
0x54: {  	p1 =	sne.s32 s21, s15;
	s23 =	sshll.u32 @!p0 s1, $0x6;
	[sflag:s22] =	ssyncset.done @p0 $0x0  }
0x55: {  	[sflag:s22] =	ssyncadd.s32 @p0 $0xFFFFDF80;
	s22 =	sor.u32 @!p0 $0x1C02, s23;
	s23 =	sshrl.u32 @!p0 s7, $0x3  }
0x56: {  	[hbm:s13], [sflag:s22] =	dma.local @!p0 [spmem:s23], $0x2780  }
.Ltmp3:
0x57: {  	_ = 	snop;
	(pc) =	sbr.rel @p1 .LBB2_1-.Ltmp3, $4  }
0x58: {  	s22 =	simm.s32 @!p0 $0x2  }
0x59: {  	_ =	swait.ge @!p0 [sflag:s22], $0x2780  }
0x5a: {  	[sflag:s22] =	ssyncset.done @!p0 $0x0  }
0x5b: {  	[sflag:s22] =	ssyncadd.s32 @!p0 $0xFFFFD880  }
0x5c: {  	_ =	sfence.sel $0x180000  }
0x5d: {  	[bflag:$0x0] =	sbarrier.arrive $0xFFFF  }
0x5e: {  	p0 =	sne.s32 s1, $0x0;
	_ =	strace $0x9000004A  }
0x5f: {  	s0 =	sadd.s32 @!p0 $0x100000, s0;
	[bflag:$0x2] =	sbarrier.arrive $0xFFFF  }
0x60: {  	[sflag:s0] =	ssyncadd.tile.s32 @!p0 $0x1;
	_ =	shalt  }
.Lfunc_end2:
_tile_overlayer_lowered:
.L_overlay_start_2:
0x61: {  	(tag) =	ssettag $0x2  }
0x62: {  	s0 =	rddreg [dreg:$0x0];
	s2 =	stileid.u32  }
0x63: {  	s1 =	rddreg [dreg:$0x1];
	p0 =	sne.s32 s2, $0x0  }
0x64: {  	s3 =	rddreg [dreg:$0x2];
	[bflag:$0x3] =	sbarrier.arrive $0xFFFF;
	s2 =	simm.s32 @!p0 $0x1C02  }
0x65: {  	[timem:s3], [sflag:s2] =	dma.local @!p0 [hbm:s0], s1  }
0x66: {  	s0 =	simm.s32 @!p0 $0x2  }
0x67: {  	_ =	swait.ge @!p0 [sflag:s0], s1  }
0x68: {  	s1 =	ssub.s32 @!p0 $0x0, s1;
	[sflag:s0] =	ssyncset.done @!p0 $0x0  }
0x69: {  	[sflag:s0] =	ssyncadd.s32 @!p0 s1  }
0x6a: {  	[bflag:$0x3] =	sbarrier.arrive $0xFFFF  }
0x6b: {  	_ =	shalt  }

// kernel: kernel.17.cloned.1.call-start
scs
__scs_entry_jumppad:
0x0: {  	(pc) =	sbr.rel $0x88, $3  }
0x1: {  	(tag) =	ssettag $0x0;
	lr =	simm.s32 $0x1  }
0x2: {  	[smem:$0x3F97] =	sst lr;
	_ =	strace $0xD0000000  }
0x3: {  	_ = 	snop  }
0x4: {  	_ = 	snop  }
0x5: {  	_ = 	snop  }
0x6: {  	_ = 	snop  }
0x7: {  	_ = 	snop  }
__scs_overlays_trampoline_lowered:
0x8: {  	[smem:$0x3FA6] =	sst s0  }
0x9: {  	[smem:$0x3FA7] =	sst s1  }
0xa: {  	[smem:$0x3FA8] =	sst s2  }
0xb: {  	[smem:$0x3FA9] =	sst s3  }
0xc: {  	[smem:$0x3FAA] =	sst s4  }
0xd: {  	[smem:$0x3FAB] =	sst s5  }
0xe: {  	[smem:$0x3FAC] =	sst s6  }
0xf: {  	[smem:$0x3FAD] =	sst s7  }
0x10: {  	[smem:$0x3FAE] =	sst s8  }
0x11: {  	[smem:$0x3FAF] =	sst s9;
	s0 =	simm.s32 @!p0 $0x0  }
0x12: {  	s1 =	sld [smem:$0x3F95];
	s0 =	simm.s32 @p0 $0x1  }
0x13: {  	[smem:$0x3FB0] =	sst s0;
	s0 =	simm.s32 @!p1 $0x0  }
0x14: {  	s2 =	sld [smem:$0x3F94];
	s0 =	simm.s32 @p1 $0x1  }
0x15: {  	[smem:$0x3FB1] =	sst s0;
	s0 =	simm.s32 @!p2 $0x0  }
0x16: {  	s3 =	sld [smem:$0x3FDB];
	s0 =	simm.s32 @p2 $0x1  }
0x17: {  	s4 =	simm.s32 $0x1BF5;
	[smem:$0x3FB3] =	sst s0  }
0x18: {  	s0 =	sld [smem:$0x3F96];
	_ =	swait.ge [sflag:s4], $0x0  }
0x19: {  	s7 =	sld [smem:$0x3F97]  }
0x1a: {  	s8 =	sadd.s32 $0xFFFFE003, lr  }
0x1b: {  	s9 =	sadd.s32 $0xFFFFFEF7, lr;
	s5 =	simm.s32 $0xFFFFFFFF;
	p2 =	slt.u32 s8, $0xFFFFF086  }
0x1c: {  	p1 =	slt.u32 s9, $0xF7A;
	s5 =	simm.s32 @!p2 $0x0  }
0x1d: {  	s5 =	simm.s32 @p1 $0x1;
	p0 =	seq.s32 s7, s2  }
0x1e: {  	s7 =	smul.u32 @!p0 $0xF7A, s2;
	p2 =	seq.s32 @!p0 s5, $0x0  }
0x1f: {  	s9 =	smul.u32 $0xF7A, s1;
	s8 =	simm.s32 @!p0 $0x1BF5;
	p2 =	por !p2, p0  }
0x20: {  	[sflag:s8] =	ssyncset.s32 @!p0 $0xFFFFF086;
	s6 =	sadd.s32 @!p0 s3, s7;
	s7 =	simm.s32 @!p0 $0x108  }
0x21: {  	s3 =	sadd.s32 s3, s9;
	s6 =	sadd.s32 @!p0 $0x88, s6;
	s7 =	simm.s32 @p2 $0x1082  }
0x22: {  	[simem:s7], [sflag:s8] =	dma.local @!p0 [hbm:s6], $0xF7A  }
0x23: {  	s9 =	sor.u32 $0xD0000000, s2;
	s6 =	simm.s32 $0x108;
	_ =	swait.ge @!p0 [sflag:s8], $0x0  }
0x24: {  	s3 =	sadd.s32 $0x88, s3;
	s6 =	simm.s32 @!p1 $0x1082;
	[sflag:s4] =	ssyncset.s32 $0xFFFFF086  }
0x25: {  	[simem:s6], [sflag:s4] =	dma.local [hbm:s3], $0xF7A  }
0x26: {  	[smem:$0x3F97] =	sst s1;
	(tag) =	ssettag s2;
	_ =	strace s9  }
0x27: {  	s1 =	sld [smem:$0x3FA7]  }
0x28: {  	s2 =	sld [smem:$0x3FA8]  }
0x29: {  	s4 =	sld [smem:$0x3FAA]  }
0x2a: {  	p0 =	seq.s32 s5, $0x0;
	s5 =	sld [smem:$0x3FAB]  }
0x2b: {  	s6 =	sld [smem:$0x3FAC]  }
0x2c: {  	s7 =	sld [smem:$0x3FAD]  }
0x2d: {  	s3 =	simm.s32 $0x108;
	s8 =	sld [smem:$0x3FAE]  }
0x2e: {  	s3 =	simm.s32 @!p0 $0x1082;
	s9 =	sld [smem:$0x3FAF]  }
0x2f: {  	lr =	sadd.s32 s0, s3;
	s0 =	sld [smem:$0x3FA6]  }
0x30: {  	s3 =	sld [smem:$0x3FA9]  }
0x31: {  	[smem:$0x3FB2] =	sst s10  }
0x32: {  	s10 =	sld [smem:$0x3FB0];
	_ =	sdelay $0x3  }
0x33: {  	p0 =	seq.s32 s10, $0x1;
	s10 =	sld [smem:$0x3FB2];
	_ =	sdelay $0x3  }
0x34: {  	[smem:$0x3FB2] =	sst s10  }
0x35: {  	s10 =	sld [smem:$0x3FB1];
	_ =	sdelay $0x3  }
0x36: {  	p1 =	seq.s32 s10, $0x1;
	s10 =	sld [smem:$0x3FB2];
	_ =	sdelay $0x3  }
0x37: {  	[smem:$0x3FB2] =	sst s10  }
0x38: {  	s10 =	sld [smem:$0x3FB3]  }
0x39: {  	_ = 	snop;
	(pc) =	sbr.ind lr, $3  }
0x3a: {  	_ = 	snop  }
0x3b: {  	_ = 	snop  }
0x3c: {  	p2 =	seq.s32 s10, $0x1;
	s10 =	sld [smem:$0x3FB2]  }
0x3d: {  	_ =	shalt  }
0x3e: {  	_ =	shalt  }
0x3f: {  	_ =	shalt  }
0x40: {  	_ =	shalt  }
0x41: {  	_ =	shalt  }
0x42: {  	_ =	shalt  }
0x43: {  	_ =	shalt  }
0x44: {  	_ =	shalt  }
0x45: {  	_ =	shalt  }
0x46: {  	_ =	shalt  }
0x47: {  	_ =	shalt  }
0x48: {  	_ =	shalt  }
0x49: {  	_ =	shalt  }
0x4a: {  	_ =	shalt  }
0x4b: {  	_ =	shalt  }
0x4c: {  	_ =	shalt  }
0x4d: {  	_ =	shalt  }
0x4e: {  	_ =	shalt  }
0x4f: {  	_ =	shalt  }
0x50: {  	_ =	shalt  }
0x51: {  	_ =	shalt  }
0x52: {  	_ =	shalt  }
0x53: {  	_ =	shalt  }
0x54: {  	_ =	shalt  }
0x55: {  	_ =	shalt  }
0x56: {  	_ =	shalt  }
0x57: {  	_ =	shalt  }
0x58: {  	_ =	shalt  }
0x59: {  	_ =	shalt  }
0x5a: {  	_ =	shalt  }
0x5b: {  	_ =	shalt  }
0x5c: {  	_ =	shalt  }
0x5d: {  	_ =	shalt  }
0x5e: {  	_ =	shalt  }
0x5f: {  	_ =	shalt  }
0x60: {  	_ =	shalt  }
0x61: {  	_ =	shalt  }
0x62: {  	_ =	shalt  }
0x63: {  	_ =	shalt  }
0x64: {  	_ =	shalt  }
0x65: {  	_ =	shalt  }
0x66: {  	_ =	shalt  }
0x67: {  	_ =	shalt  }
0x68: {  	_ =	shalt  }
0x69: {  	_ =	shalt  }
0x6a: {  	_ =	shalt  }
0x6b: {  	_ =	shalt  }
0x6c: {  	_ =	shalt  }
0x6d: {  	_ =	shalt  }
0x6e: {  	_ =	shalt  }
0x6f: {  	_ =	shalt  }
0x70: {  	_ =	shalt  }
0x71: {  	_ =	shalt  }
0x72: {  	_ =	shalt  }
0x73: {  	_ =	shalt  }
0x74: {  	_ =	shalt  }
0x75: {  	_ =	shalt  }
0x76: {  	_ =	shalt  }
0x77: {  	_ =	shalt  }
0x78: {  	_ =	shalt  }
0x79: {  	_ =	shalt  }
0x7a: {  	_ =	shalt  }
0x7b: {  	_ =	shalt  }
0x7c: {  	_ =	shalt  }
0x7d: {  	_ =	shalt  }
0x7e: {  	_ =	shalt  }
0x7f: {  	_ =	shalt  }
0x80: {  	_ =	shalt  }
0x81: {  	_ =	shalt  }
0x82: {  	_ =	shalt  }
0x83: {  	_ =	shalt  }
0x84: {  	_ =	shalt  }
0x85: {  	_ =	shalt  }
0x86: {  	_ =	shalt  }
0x87: {  	_ =	shalt  }
.Lfunc_end0:
.L_simem_size_0:
called_computation.2_lowered:
.L_overlay_start_0:
0x88: {  	s2 =	sld [smem:$0x3FD9]  }
0x89: {  	s3 =	sld [smem:$0x3FFE];
	_ =	sdelay $0x1  }
0x8a: {  	s1 =	srdreg.scid  }
0x8b: {  	s0 =	sand.u32 $0x1, s1  }
0x8c: {  	s14 =	sshll.u32 s0, $0xA;
	s2 =	sadd.s32 s3, s2  }
0x8d: {  	s2 =	sadd.s32 s2, s14  }
0x8e: {  	[smem:$0x3FBE] =	sst s2  }
0x8f: {  	_ = 	snop  }
0x90: {  	s2 =	sld [smem:$0x3FD0];
	_ =	sdelay $0x2  }
0x91: {  	s15 =	simm.s32 $0xA;
	s4 =	simm.s32 $0x10  }
0x92: {  	[smem:s4], [sflag:s15] =	dma.local [hbm:s2], $0x1  }
0x93: {  	_ =	swait.eq [sflag:s15], $0x1  }
0x94: {  	[sflag:s15] =	ssyncset.done $0x0  }
0x95: {  	s16 =	sld [smem:$0x10];
	[sflag:s15] =	ssyncadd.s32 $0xFFFFFFFF  }
0x96: {  	s17 =	sld [smem:$0x11];
	(tm) =	ssettm $0x1  }
0x97: {  	s18 =	sld [smem:$0x3FFB];
	_ =	sdelay $0x3  }
0x98: {  	_ =	strace s18  }
0x99: {  	s4 =	sld [smem:$0x3FFC];
	_ =	sdelay $0x3  }
0x9a: {  	_ =	strace s4  }
0x9b: {  	s4 =	sld [smem:$0x3FFD];
	_ =	sdelay $0x3  }
0x9c: {  	_ =	strace s4  }
0x9d: {  	_ =	strace $0x8FFFFFFF  }
0x9e: {  	s19 =	sld [smem:$0x3FDB];
	_ =	sdelay $0x1  }
0x9f: {  	s5 =	simm.s32 $_scs_section_size  }
0xa0: {  	s6 =	simm.s32 $_size__tile_overlayer_lowered;
	s7 =	simm.s32 $_tile_overlayer_lowered  }
0xa1: {  	s22 =	simm.s32 $0x1BFF;
	s21 =	sshll.u32 s7, $0x1;
	s4 =	sadd.s32 s5, s19  }
0xa2: {  	s8 =	simm.s32 $0x0;
	s20 =	sshll.u32 s6, $0x1;
	s6 =	sadd.s32 s21, s4  }
0xa3: {  	[timem:s8], [sflag:s22] =	dma.local [hbm:s6], s20  }
0xa4: {  	_ =	swait.ge [sflag:s22], s20  }
0xa5: {  	s5 =	ssub.s32 $0x0, s20;
	[sflag:s22] =	ssyncset.done $0x0  }
0xa6: {  	[sflag:s22] =	ssyncadd.s32 s5;
	_ =	sdelay $0x1  }
0xa7: {  	s23 =	simm.s32 $0x1B8B  }
0xa8: {  	_ =	swait.ge [sflag:s23], $0x1  }
0xa9: {  	[sflag:s23] =	ssyncset.done $0x0  }
0xaa: {  	s25 =	simm.s32 $0x1B8E;
	s24 =	sld [smem:$0x3FFE];
	[sflag:s23] =	ssyncadd.s32 $0xFFFFFFFF  }
0xab: {  	s26 =	simm.s32 $execute0_lowered;
	[smem:$0x3FD2] =	sst s25  }
0xac: {  	s6 =	sshll.u32 s26, $0x1;
	_ =	strace $0x8000004C;
	[dreg:$0x1] =	wrdreg $0xFFFFFFFF  }
0xad: {  	s28 =	simm.s32 $_size_execute0_lowered;
	s4 =	sadd.s32 s4, s6;
	[dreg:$0x0] =	wrdreg $0x0  }
0xae: {  	s6 =	sshll.u32 s28, $0x1;
	[dreg:$0x2] =	wrdreg s4  }
0xaf: {  	[dreg:$0x3] =	wrdreg s6  }
0xb0: {  	[dreg:$0x4] =	wrdreg $0xC0  }
0xb1: {  	_ =	task [dreg:s8], $0x5FFFF  }
0xb2: {  	[dreg:$0x1] =	wrdreg $0xFFFFFFFF  }
0xb3: {  	[dreg:$0x0] =	wrdreg $0x60  }
0xb4: {  	[dreg:$0x2] =	wrdreg s24  }
0xb5: {  	[dreg:$0x3] =	wrdreg s17  }
0xb6: {  	[dreg:$0x4] =	wrdreg s16  }
0xb7: {  	[dreg:$0x5] =	wrdreg $0xB0000  }
0xb8: {  	[dreg:$0x6] =	wrdreg $0x9  }
0xb9: {  	_ =	task.clear_ibuf [dreg:s8], $0x7FFFF;
	_ =	strace $0x9000004C  }
0xba: {  	s29 =	simm.s32 $0x9;
	_ =	strace $0x8000004E  }
0xbb: {  	_ =	swait.ge [sflag:s29], $0x1  }
0xbc: {  	[sflag:s29] =	ssyncadd.s32 $0xFFFFFFFF  }
0xbd: {  	_ =	strace $0x9000004E  }
0xbe: {  	_ =	sfence  }
0xbf: {  	s30 =	sld [smem:$0x0];
	_ =	sdelay $0x2  }
0xc0: {  	s31 =	sshll.u32 s1, $0xD;
	s1 =	sshrl.u32 s1, $0x2  }
0xc1: {  	s3 =	sand.u32 $0x4000, s31;
	s1 =	sadd.s32 s1, s30  }
0xc2: {  	s0 =	sor.u32 s3, s0;
	s1 =	sshll.u32 s1, $0x11  }
0xc3: {  	s0 =	sor.u32 s1, s0  }
0xc4: {  	s0 =	sadd.s32 $0x8F2B, s0  }
0xc5: {  	[sflag:s0] =	ssyncadd.remote.s32 $0x1  }
0xc6: {  	_ =	sfence.sel $0xFFFF  }
0xc7: {  	[dreg:$0x0] =	wrdreg $0xFFFFFFFF;
	(pc) =	sbr.abs _section_cstart, $3  }
0xc8: {  	[dreg:$0x1] =	wrdreg $0xFFFFFFFF  }
0xc9: {  	_ =	task.clear_ibuf [dreg:s8], $0x2FFFF;
	_ =	strace $0x9FFFFFFF  }
0xca: {  	(tm) =	ssettm $0x7FFFFFFF  }
0xcb: {  	_ =	shalt  }
tec
execute0_lowered:
.L_overlay_start_1:
0x0: {  	(tag) =	ssettag $0x1  }
0x1: {  	s5 =	rddreg [dreg:$0x0]  }
0x2: {  	s6 =	rddreg [dreg:$0x1]  }
0x3: {  	s7 =	rddreg [dreg:$0x2]  }
0x4: {  	s0 =	srdreg.scid;
	s2 =	rddreg [dreg:$0x3]  }
0x5: {  	s1 =	stileid.u32;
	s3 =	simm.s32 $0x0;
	s18 =	simm.s32 $0x7000  }
0x6: {  	s19 =	simm.s32 $0x80;
	s20 =	simm.s32 $0x1;
	s21 =	simm.s32 $0x0  }
0x7: {  	s12 =	sand.u32 $0x1, s0;
	s0 =	rddreg [dreg:$0x4];
	s11 =	smul.u32 $0x4F000, s1  }
0x8: {  	[smem:$0x7FF] =	sst s3;
	s14 =	sadd.s32 $0x29C00, s5;
	s16 =	smul.u32 $0x13C00, s1  }
0x9: {  	s4 =	sshll.u32 s12, $0x4;
	s8 =	ssub.s32 $0x2, s12;
	_ =	strace $0x8000004D  }
0xa: {  	s13 =	smul.u32 $0x138800, s12;
	p0 =	seq.s32 s12, $0x0;
	s12 =	simm.s32 $0x69  }
0xb: {  	s4 =	sor.u32 s1, s4;
	s10 =	sshrl.u32 s8, $0x1;
	s31 =	sshrl.u32 s11, $0x2  }
0xc: {  	s12 =	simm.s32 @!p0 $0x35;
	p0 =	seq.s32 s1, $0xF;
	s9 =	smul.u32 $0x700, s4  }
0xd: {  	s4 =	sadd.s32 $0x2A00, s5;
	s15 =	ssub.s32 s8, s10;
	s16 =	sadd.s32 s16, s13  }
0xe: {  	s17 =	sshrl.u32 s13, $0x3;
	s16 =	sshrl.u32 s16, $0x3;
	s15 =	smax.u32 s15, $0x1  }
0xf: {  	s5 =	sadd.s32 s6, s9;
	s6 =	sadd.s32 s7, s9;
	s7 =	sadd.s32 s31, s2  }
0x10: {  	s13 =	sadd.s32 s14, s16;
	s14 =	sadd.s32 s14, s17;
	s16 =	simm.s32 $0x2  }
0x11: {  	s17 =	simm.s32 $0x3800;
	s8 =	sadd.s32 $0x4000, s7;
	s9 =	sadd.s32 $0x8000, s7  }
0x12: {  	v0 =	vimm.f32 $0.0e+00;
	s10 =	sadd.s32 $0xC000, s7;
	s11 =	sadd.s32 $0x10000, s7;
	s14 =	sadd.s32 $0x25080, s14  }
.LBB2_1:
0x13: {  	[tilespmem:s3], [sflag:$0x2] =	stream.linear.gather [hbm4b:s5+s3], $0x3480, $0x38;
	[tilespmem:$0x1EC00] =	vst v63  }
0x14: {  	_ =	swait.ge [sflag:s16], $0x3480  }
0x15: {  	[sflag:s16] =	ssyncset.done $0x0  }
0x16: {  	[sflag:s16] =	ssyncadd.s32 $0xFFFFCB80  }
0x17: {  	[tilespmem:s17], [sflag:$0x2] =	stream.linear.gather [hbm4b:s6+s3], $0x3480, $0x38;
	[tilespmem:$0x1EC00] =	vst v63  }
0x18: {  	_ =	swait.ge [sflag:s16], $0x3480  }
0x19: {  	[sflag:s16] =	ssyncset.done $0x0  }
0x1a: {  	s22 =	simm.s32 $0x0;
	s23 =	simm.s32 $0x200;
	[sflag:s16] =	ssyncadd.s32 $0xFFFFCB80  }
.LBB2_2:
0x1b: {  	p1 =	sne.s32 s23, $0xFE00;
	[tilespmem:s22+$0x7070] =	vst v0  }
0x1c: {  	[tilespmem:s22+$0x7000] =	vst v0  }
0x1d: {  	[tilespmem:s22+$0x7010] =	vst v0  }
.Ltmp0:
0x1e: {  	[tilespmem:s22+$0x7020] =	vst v0;
	(pc) =	sbr.rel @p1 .LBB2_2-.Ltmp0, $4  }
0x1f: {  	[tilespmem:s22+$0x7030] =	vst v0  }
0x20: {  	[tilespmem:s22+$0x7040] =	vst v0  }
0x21: {  	[tilespmem:s22+$0x7050] =	vst v0  }
0x22: {  	[tilespmem:s22+$0x7060] =	vst v0;
	s22 =	sshra.s32 s23, $0x2;
	s23 =	sadd.s32 $0x200, s23  }
0x23: {  	[tilespmem:s22+$0x7070] =	vst v0  }
0x24: {  	[tilespmem:s22+$0x7000] =	vst v0  }
0x25: {  	[tilespmem:s22+$0x7010] =	vst v0  }
0x26: {  	[tilespmem:s22+$0x7020] =	vst v0  }
0x27: {  	[tilespmem:s22+$0x7030] =	vst v0  }
0x28: {  	[tilespmem:s22+$0x7040] =	vst v0  }
0x29: {  	[tilespmem:s22+$0x7050] =	vst v0  }
0x2a: {  	[tilespmem:s22+$0x7060] =	vst v0  }
0x2b: {  	[spmem:s7] =	stream.linear.scatter [tilespmem:s18], [sflag:$0x2], $0x4000, $0x38;
	[tilespmem:$0x1EC00] =	vst v63  }
0x2c: {  	_ =	swait.ge [sflag:s16], $0x4000  }
0x2d: {  	[sflag:s16] =	ssyncset.done $0x0  }
0x2e: {  	[sflag:s16] =	ssyncadd.s32 $0xFFFFC000  }
0x2f: {  	[spmem:s8] =	stream.linear.scatter [tilespmem:s18], [sflag:$0x2], $0x4000, $0x38;
	[tilespmem:$0x1EC00] =	vst v63  }
0x30: {  	_ =	swait.ge [sflag:s16], $0x4000  }
0x31: {  	[sflag:s16] =	ssyncset.done $0x0  }
0x32: {  	[sflag:s16] =	ssyncadd.s32 $0xFFFFC000  }
0x33: {  	[spmem:s9] =	stream.linear.scatter [tilespmem:s18], [sflag:$0x2], $0x4000, $0x38;
	[tilespmem:$0x1EC00] =	vst v63  }
0x34: {  	_ =	swait.ge [sflag:s16], $0x4000  }
0x35: {  	[sflag:s16] =	ssyncset.done $0x0  }
0x36: {  	[sflag:s16] =	ssyncadd.s32 $0xFFFFC000  }
0x37: {  	[spmem:s10] =	stream.linear.scatter [tilespmem:s18], [sflag:$0x2], $0x4000, $0x38;
	[tilespmem:$0x1EC00] =	vst v63  }
0x38: {  	_ =	swait.ge [sflag:s16], $0x4000  }
0x39: {  	[sflag:s16] =	ssyncset.done $0x0  }
0x3a: {  	[sflag:s16] =	ssyncadd.s32 $0xFFFFC000  }
0x3b: {  	[spmem:s11] =	stream.linear.scatter [tilespmem:s18], [sflag:$0x2], $0x3C00, $0x38;
	[tilespmem:$0x1EC00] =	vst v63  }
0x3c: {  	_ =	swait.ge [sflag:s16], $0x3C00  }
0x3d: {  	[sflag:s16] =	ssyncset.done $0x0  }
0x3e: {  	[sflag:s16] =	ssyncadd.s32 $0xFFFFC400  }
0x3f: {  	s22 =	simm.s32 $0x0;
	[bflag:$0x0] =	sbarrier.arrive $0xFFFF  }
0x40: {  	[tilespmem:s18], [sflag:$0x1] =	stream.indirect.gather [hbm4b:s4+s19], $0x80, s22, s19, $0xb8;
	[tilespmem:$0x1EC00] =	vst v63  }
0x41: {  	p1 =	sne.s32 s12, $0x1;
	_ =	swait.ge [sflag:s20], $0x4000  }
.Ltmp1:
0x42: {  	[sflag:s20] =	ssyncset.done $0x0;
	(pc) =	sbr.rel @!p1 .LBB2_5-.Ltmp1, $4  }
0x43: {  	s23 =	simm.s32 $0x3800;
	[sflag:s20] =	ssyncadd.s32 $0xFFFFC000  }
0x44: {  	[spmem:s2] =	stream.indirect.scatter.add.f32 [tilespmem:s18], [sflag:$0x2], $0x80, s23, s19, $0xb8;
	[tilespmem:$0x1EC00] =	vst v63  }
0x45: {  	_ =	swait.ge [sflag:s16], $0x4000  }
0x46: {  	s24 =	sadd.s32 $0xFFFFFFFF, s12;
	[sflag:s16] =	ssyncset.done $0x0  }
.LBB2_4:
0x47: {  	[sflag:s16] =	ssyncadd.s32 $0xFFFFC000;
	s22 =	sadd.s32 $0x80, s22;
	s23 =	sadd.s32 $0x80, s23  }
0x48: {  	[tilespmem:s18], [sflag:$0x1] =	stream.indirect.gather [hbm4b:s4+s19], $0x80, s22, s19, $0xb8;
	[tilespmem:$0x1EC00] =	vst v63  }
0x49: {  	p1 =	sne.s32 s24, $0x1;
	s24 =	sadd.s32 $0xFFFFFFFF, s24;
	_ =	swait.ge [sflag:s20], $0x4000  }
.Ltmp2:
0x4a: {  	[sflag:s20] =	ssyncset.done $0x0;
	(pc) =	sbr.rel @p1 .LBB2_4-.Ltmp2, $4  }
0x4b: {  	[sflag:s20] =	ssyncadd.s32 $0xFFFFC000  }
0x4c: {  	[spmem:s2] =	stream.indirect.scatter.add.f32 [tilespmem:s18], [sflag:$0x2], $0x80, s23, s19, $0xb8;
	[tilespmem:$0x1EC00] =	vst v63  }
0x4d: {  	_ =	swait.ge [sflag:s16], $0x4000  }
0x4e: {  	[sflag:s16] =	ssyncset.done $0x0  }
.LBB2_5:
0x4f: {  	[sflag:s16] =	ssyncadd.s32 $0xFFFFC000  }
0x50: {  	s22 =	sshrl.u32 @p0 s7, $0x3;
	s23 =	simm.s32 @p0 $0x1FC2;
	[bflag:$0x0] =	sbarrier.arrive $0xFFFF  }
0x51: {  	[hbm:s14], [sflag:s23] =	dma.local @p0 [spmem:s22], $0x2080  }
0x52: {  	s22 =	simm.s32 @p0 $0x2  }
0x53: {  	s21 =	sadd.s32 $0x1, s21;
	_ =	swait.ge @p0 [sflag:s22], $0x2080  }
0x54: {  	p1 =	sne.s32 s21, s15;
	s23 =	sshll.u32 @!p0 s1, $0x6;
	[sflag:s22] =	ssyncset.done @p0 $0x0  }
0x55: {  	[sflag:s22] =	ssyncadd.s32 @p0 $0xFFFFDF80;
	s22 =	sor.u32 @!p0 $0x1C02, s23;
	s23 =	sshrl.u32 @!p0 s7, $0x3  }
0x56: {  	[hbm:s13], [sflag:s22] =	dma.local @!p0 [spmem:s23], $0x2780  }
.Ltmp3:
0x57: {  	_ = 	snop;
	(pc) =	sbr.rel @p1 .LBB2_1-.Ltmp3, $4  }
0x58: {  	s22 =	simm.s32 @!p0 $0x2  }
0x59: {  	_ =	swait.ge @!p0 [sflag:s22], $0x2780  }
0x5a: {  	[sflag:s22] =	ssyncset.done @!p0 $0x0  }
0x5b: {  	[sflag:s22] =	ssyncadd.s32 @!p0 $0xFFFFD880  }
0x5c: {  	_ =	sfence.sel $0x180000  }
0x5d: {  	[bflag:$0x0] =	sbarrier.arrive $0xFFFF  }
0x5e: {  	p0 =	sne.s32 s1, $0x0;
	_ =	strace $0x9000004D  }
0x5f: {  	s0 =	sadd.s32 @!p0 $0x100000, s0;
	[bflag:$0x2] =	sbarrier.arrive $0xFFFF  }
0x60: {  	[sflag:s0] =	ssyncadd.tile.s32 @!p0 $0x1;
	_ =	shalt  }
.Lfunc_end2:
_tile_overlayer_lowered:
.L_overlay_start_2:
0x61: {  	(tag) =	ssettag $0x2  }
0x62: {  	s0 =	rddreg [dreg:$0x0];
	s2 =	stileid.u32  }
0x63: {  	s1 =	rddreg [dreg:$0x1];
	p0 =	sne.s32 s2, $0x0  }
0x64: {  	s3 =	rddreg [dreg:$0x2];
	[bflag:$0x3] =	sbarrier.arrive $0xFFFF;
	s2 =	simm.s32 @!p0 $0x1C02  }
0x65: {  	[timem:s3], [sflag:s2] =	dma.local @!p0 [hbm:s0], s1  }
0x66: {  	s0 =	simm.s32 @!p0 $0x2  }
0x67: {  	_ =	swait.ge @!p0 [sflag:s0], s1  }
0x68: {  	s1 =	ssub.s32 @!p0 $0x0, s1;
	[sflag:s0] =	ssyncset.done @!p0 $0x0  }
0x69: {  	[sflag:s0] =	ssyncadd.s32 @!p0 s1  }
0x6a: {  	[bflag:$0x3] =	sbarrier.arrive $0xFFFF  }
0x6b: {  	_ =	shalt  }

// kernel: kernel.20.cloned.1.call-start
scs
__scs_entry_jumppad:
0x0: {  	(pc) =	sbr.rel $0x88, $3  }
0x1: {  	(tag) =	ssettag $0x0;
	lr =	simm.s32 $0x1  }
0x2: {  	[smem:$0x3F97] =	sst lr;
	_ =	strace $0xD0000000  }
0x3: {  	_ = 	snop  }
0x4: {  	_ = 	snop  }
0x5: {  	_ = 	snop  }
0x6: {  	_ = 	snop  }
0x7: {  	_ = 	snop  }
__scs_overlays_trampoline_lowered:
0x8: {  	[smem:$0x3FA6] =	sst s0  }
0x9: {  	[smem:$0x3FA7] =	sst s1  }
0xa: {  	[smem:$0x3FA8] =	sst s2  }
0xb: {  	[smem:$0x3FA9] =	sst s3  }
0xc: {  	[smem:$0x3FAA] =	sst s4  }
0xd: {  	[smem:$0x3FAB] =	sst s5  }
0xe: {  	[smem:$0x3FAC] =	sst s6  }
0xf: {  	[smem:$0x3FAD] =	sst s7  }
0x10: {  	[smem:$0x3FAE] =	sst s8  }
0x11: {  	[smem:$0x3FAF] =	sst s9;
	s0 =	simm.s32 @!p0 $0x0  }
0x12: {  	s1 =	sld [smem:$0x3F95];
	s0 =	simm.s32 @p0 $0x1  }
0x13: {  	[smem:$0x3FB0] =	sst s0;
	s0 =	simm.s32 @!p1 $0x0  }
0x14: {  	s2 =	sld [smem:$0x3F94];
	s0 =	simm.s32 @p1 $0x1  }
0x15: {  	[smem:$0x3FB1] =	sst s0;
	s0 =	simm.s32 @!p2 $0x0  }
0x16: {  	s3 =	sld [smem:$0x3FDB];
	s0 =	simm.s32 @p2 $0x1  }
0x17: {  	s4 =	simm.s32 $0x1BF5;
	[smem:$0x3FB3] =	sst s0  }
0x18: {  	s0 =	sld [smem:$0x3F96];
	_ =	swait.ge [sflag:s4], $0x0  }
0x19: {  	s7 =	sld [smem:$0x3F97]  }
0x1a: {  	s8 =	sadd.s32 $0xFFFFE003, lr  }
0x1b: {  	s9 =	sadd.s32 $0xFFFFFEF7, lr;
	s5 =	simm.s32 $0xFFFFFFFF;
	p2 =	slt.u32 s8, $0xFFFFF086  }
0x1c: {  	p1 =	slt.u32 s9, $0xF7A;
	s5 =	simm.s32 @!p2 $0x0  }
0x1d: {  	s5 =	simm.s32 @p1 $0x1;
	p0 =	seq.s32 s7, s2  }
0x1e: {  	s7 =	smul.u32 @!p0 $0xF7A, s2;
	p2 =	seq.s32 @!p0 s5, $0x0  }
0x1f: {  	s9 =	smul.u32 $0xF7A, s1;
	s8 =	simm.s32 @!p0 $0x1BF5;
	p2 =	por !p2, p0  }
0x20: {  	[sflag:s8] =	ssyncset.s32 @!p0 $0xFFFFF086;
	s6 =	sadd.s32 @!p0 s3, s7;
	s7 =	simm.s32 @!p0 $0x108  }
0x21: {  	s3 =	sadd.s32 s3, s9;
	s6 =	sadd.s32 @!p0 $0x88, s6;
	s7 =	simm.s32 @p2 $0x1082  }
0x22: {  	[simem:s7], [sflag:s8] =	dma.local @!p0 [hbm:s6], $0xF7A  }
0x23: {  	s9 =	sor.u32 $0xD0000000, s2;
	s6 =	simm.s32 $0x108;
	_ =	swait.ge @!p0 [sflag:s8], $0x0  }
0x24: {  	s3 =	sadd.s32 $0x88, s3;
	s6 =	simm.s32 @!p1 $0x1082;
	[sflag:s4] =	ssyncset.s32 $0xFFFFF086  }
0x25: {  	[simem:s6], [sflag:s4] =	dma.local [hbm:s3], $0xF7A  }
0x26: {  	[smem:$0x3F97] =	sst s1;
	(tag) =	ssettag s2;
	_ =	strace s9  }
0x27: {  	s1 =	sld [smem:$0x3FA7]  }
0x28: {  	s2 =	sld [smem:$0x3FA8]  }
0x29: {  	s4 =	sld [smem:$0x3FAA]  }
0x2a: {  	p0 =	seq.s32 s5, $0x0;
	s5 =	sld [smem:$0x3FAB]  }
0x2b: {  	s6 =	sld [smem:$0x3FAC]  }
0x2c: {  	s7 =	sld [smem:$0x3FAD]  }
0x2d: {  	s3 =	simm.s32 $0x108;
	s8 =	sld [smem:$0x3FAE]  }
0x2e: {  	s3 =	simm.s32 @!p0 $0x1082;
	s9 =	sld [smem:$0x3FAF]  }
0x2f: {  	lr =	sadd.s32 s0, s3;
	s0 =	sld [smem:$0x3FA6]  }
0x30: {  	s3 =	sld [smem:$0x3FA9]  }
0x31: {  	[smem:$0x3FB2] =	sst s10  }
0x32: {  	s10 =	sld [smem:$0x3FB0];
	_ =	sdelay $0x3  }
0x33: {  	p0 =	seq.s32 s10, $0x1;
	s10 =	sld [smem:$0x3FB2];
	_ =	sdelay $0x3  }
0x34: {  	[smem:$0x3FB2] =	sst s10  }
0x35: {  	s10 =	sld [smem:$0x3FB1];
	_ =	sdelay $0x3  }
0x36: {  	p1 =	seq.s32 s10, $0x1;
	s10 =	sld [smem:$0x3FB2];
	_ =	sdelay $0x3  }
0x37: {  	[smem:$0x3FB2] =	sst s10  }
0x38: {  	s10 =	sld [smem:$0x3FB3]  }
0x39: {  	_ = 	snop;
	(pc) =	sbr.ind lr, $3  }
0x3a: {  	_ = 	snop  }
0x3b: {  	_ = 	snop  }
0x3c: {  	p2 =	seq.s32 s10, $0x1;
	s10 =	sld [smem:$0x3FB2]  }
0x3d: {  	_ =	shalt  }
0x3e: {  	_ =	shalt  }
0x3f: {  	_ =	shalt  }
0x40: {  	_ =	shalt  }
0x41: {  	_ =	shalt  }
0x42: {  	_ =	shalt  }
0x43: {  	_ =	shalt  }
0x44: {  	_ =	shalt  }
0x45: {  	_ =	shalt  }
0x46: {  	_ =	shalt  }
0x47: {  	_ =	shalt  }
0x48: {  	_ =	shalt  }
0x49: {  	_ =	shalt  }
0x4a: {  	_ =	shalt  }
0x4b: {  	_ =	shalt  }
0x4c: {  	_ =	shalt  }
0x4d: {  	_ =	shalt  }
0x4e: {  	_ =	shalt  }
0x4f: {  	_ =	shalt  }
0x50: {  	_ =	shalt  }
0x51: {  	_ =	shalt  }
0x52: {  	_ =	shalt  }
0x53: {  	_ =	shalt  }
0x54: {  	_ =	shalt  }
0x55: {  	_ =	shalt  }
0x56: {  	_ =	shalt  }
0x57: {  	_ =	shalt  }
0x58: {  	_ =	shalt  }
0x59: {  	_ =	shalt  }
0x5a: {  	_ =	shalt  }
0x5b: {  	_ =	shalt  }
0x5c: {  	_ =	shalt  }
0x5d: {  	_ =	shalt  }
0x5e: {  	_ =	shalt  }
0x5f: {  	_ =	shalt  }
0x60: {  	_ =	shalt  }
0x61: {  	_ =	shalt  }
0x62: {  	_ =	shalt  }
0x63: {  	_ =	shalt  }
0x64: {  	_ =	shalt  }
0x65: {  	_ =	shalt  }
0x66: {  	_ =	shalt  }
0x67: {  	_ =	shalt  }
0x68: {  	_ =	shalt  }
0x69: {  	_ =	shalt  }
0x6a: {  	_ =	shalt  }
0x6b: {  	_ =	shalt  }
0x6c: {  	_ =	shalt  }
0x6d: {  	_ =	shalt  }
0x6e: {  	_ =	shalt  }
0x6f: {  	_ =	shalt  }
0x70: {  	_ =	shalt  }
0x71: {  	_ =	shalt  }
0x72: {  	_ =	shalt  }
0x73: {  	_ =	shalt  }
0x74: {  	_ =	shalt  }
0x75: {  	_ =	shalt  }
0x76: {  	_ =	shalt  }
0x77: {  	_ =	shalt  }
0x78: {  	_ =	shalt  }
0x79: {  	_ =	shalt  }
0x7a: {  	_ =	shalt  }
0x7b: {  	_ =	shalt  }
0x7c: {  	_ =	shalt  }
0x7d: {  	_ =	shalt  }
0x7e: {  	_ =	shalt  }
0x7f: {  	_ =	shalt  }
0x80: {  	_ =	shalt  }
0x81: {  	_ =	shalt  }
0x82: {  	_ =	shalt  }
0x83: {  	_ =	shalt  }
0x84: {  	_ =	shalt  }
0x85: {  	_ =	shalt  }
0x86: {  	_ =	shalt  }
0x87: {  	_ =	shalt  }
.Lfunc_end0:
.L_simem_size_0:
called_computation.3_lowered:
.L_overlay_start_0:
0x88: {  	s2 =	sld [smem:$0x3FD9]  }
0x89: {  	s3 =	sld [smem:$0x3FFE];
	_ =	sdelay $0x1  }
0x8a: {  	s1 =	srdreg.scid  }
0x8b: {  	s0 =	sand.u32 $0x1, s1  }
0x8c: {  	s14 =	sshll.u32 s0, $0xA;
	s2 =	sadd.s32 s3, s2  }
0x8d: {  	s2 =	sadd.s32 s2, s14  }
0x8e: {  	[smem:$0x3FBE] =	sst s2  }
0x8f: {  	_ = 	snop  }
0x90: {  	s2 =	sld [smem:$0x3FD0];
	_ =	sdelay $0x2  }
0x91: {  	s15 =	simm.s32 $0xA;
	s4 =	simm.s32 $0x10  }
0x92: {  	[smem:s4], [sflag:s15] =	dma.local [hbm:s2], $0x1  }
0x93: {  	_ =	swait.eq [sflag:s15], $0x1  }
0x94: {  	[sflag:s15] =	ssyncset.done $0x0  }
0x95: {  	s16 =	sld [smem:$0x10];
	[sflag:s15] =	ssyncadd.s32 $0xFFFFFFFF  }
0x96: {  	s17 =	sld [smem:$0x11];
	(tm) =	ssettm $0x1  }
0x97: {  	s18 =	sld [smem:$0x3FFB];
	_ =	sdelay $0x3  }
0x98: {  	_ =	strace s18  }
0x99: {  	s4 =	sld [smem:$0x3FFC];
	_ =	sdelay $0x3  }
0x9a: {  	_ =	strace s4  }
0x9b: {  	s4 =	sld [smem:$0x3FFD];
	_ =	sdelay $0x3  }
0x9c: {  	_ =	strace s4  }
0x9d: {  	_ =	strace $0x8FFFFFFF  }
0x9e: {  	s19 =	sld [smem:$0x3FDB];
	_ =	sdelay $0x1  }
0x9f: {  	s5 =	simm.s32 $_scs_section_size  }
0xa0: {  	s6 =	simm.s32 $_size__tile_overlayer_lowered;
	s7 =	simm.s32 $_tile_overlayer_lowered  }
0xa1: {  	s22 =	simm.s32 $0x1BFF;
	s21 =	sshll.u32 s7, $0x1;
	s4 =	sadd.s32 s5, s19  }
0xa2: {  	s8 =	simm.s32 $0x0;
	s20 =	sshll.u32 s6, $0x1;
	s6 =	sadd.s32 s21, s4  }
0xa3: {  	[timem:s8], [sflag:s22] =	dma.local [hbm:s6], s20  }
0xa4: {  	_ =	swait.ge [sflag:s22], s20  }
0xa5: {  	s5 =	ssub.s32 $0x0, s20;
	[sflag:s22] =	ssyncset.done $0x0  }
0xa6: {  	[sflag:s22] =	ssyncadd.s32 s5;
	_ =	sdelay $0x1  }
0xa7: {  	s23 =	simm.s32 $0x1B8B  }
0xa8: {  	_ =	swait.ge [sflag:s23], $0x1  }
0xa9: {  	[sflag:s23] =	ssyncset.done $0x0  }
0xaa: {  	s25 =	simm.s32 $0x1B8E;
	s24 =	sld [smem:$0x3FFE];
	[sflag:s23] =	ssyncadd.s32 $0xFFFFFFFF  }
0xab: {  	s26 =	simm.s32 $execute0_lowered;
	[smem:$0x3FD2] =	sst s25  }
0xac: {  	s6 =	sshll.u32 s26, $0x1;
	_ =	strace $0x8000004F;
	[dreg:$0x1] =	wrdreg $0xFFFFFFFF  }
0xad: {  	s28 =	simm.s32 $_size_execute0_lowered;
	s4 =	sadd.s32 s4, s6;
	[dreg:$0x0] =	wrdreg $0x0  }
0xae: {  	s6 =	sshll.u32 s28, $0x1;
	[dreg:$0x2] =	wrdreg s4  }
0xaf: {  	[dreg:$0x3] =	wrdreg s6  }
0xb0: {  	[dreg:$0x4] =	wrdreg $0xC0  }
0xb1: {  	_ =	task [dreg:s8], $0x5FFFF  }
0xb2: {  	[dreg:$0x1] =	wrdreg $0xFFFFFFFF  }
0xb3: {  	[dreg:$0x0] =	wrdreg $0x60  }
0xb4: {  	[dreg:$0x2] =	wrdreg s24  }
0xb5: {  	[dreg:$0x3] =	wrdreg s17  }
0xb6: {  	[dreg:$0x4] =	wrdreg s16  }
0xb7: {  	[dreg:$0x5] =	wrdreg $0xB0000  }
0xb8: {  	[dreg:$0x6] =	wrdreg $0x9  }
0xb9: {  	_ =	task.clear_ibuf [dreg:s8], $0x7FFFF;
	_ =	strace $0x9000004F  }
0xba: {  	s29 =	simm.s32 $0x9;
	_ =	strace $0x80000051  }
0xbb: {  	_ =	swait.ge [sflag:s29], $0x1  }
0xbc: {  	[sflag:s29] =	ssyncadd.s32 $0xFFFFFFFF  }
0xbd: {  	_ =	strace $0x90000051  }
0xbe: {  	_ =	sfence  }
0xbf: {  	s30 =	sld [smem:$0x0];
	_ =	sdelay $0x2  }
0xc0: {  	s31 =	sshll.u32 s1, $0xD;
	s1 =	sshrl.u32 s1, $0x2  }
0xc1: {  	s3 =	sand.u32 $0x4000, s31;
	s1 =	sadd.s32 s1, s30  }
0xc2: {  	s0 =	sor.u32 s3, s0;
	s1 =	sshll.u32 s1, $0x11  }
0xc3: {  	s0 =	sor.u32 s1, s0  }
0xc4: {  	s0 =	sadd.s32 $0x8F2B, s0  }
0xc5: {  	[sflag:s0] =	ssyncadd.remote.s32 $0x1  }
0xc6: {  	_ =	sfence.sel $0xFFFF  }
0xc7: {  	[dreg:$0x0] =	wrdreg $0xFFFFFFFF;
	(pc) =	sbr.abs _section_cstart, $3  }
0xc8: {  	[dreg:$0x1] =	wrdreg $0xFFFFFFFF  }
0xc9: {  	_ =	task.clear_ibuf [dreg:s8], $0x2FFFF;
	_ =	strace $0x9FFFFFFF  }
0xca: {  	(tm) =	ssettm $0x7FFFFFFF  }
0xcb: {  	_ =	shalt  }
tec
execute0_lowered:
.L_overlay_start_1:
0x0: {  	(tag) =	ssettag $0x1  }
0x1: {  	s5 =	rddreg [dreg:$0x0]  }
0x2: {  	s6 =	rddreg [dreg:$0x1]  }
0x3: {  	s7 =	rddreg [dreg:$0x2]  }
0x4: {  	s0 =	srdreg.scid;
	s2 =	rddreg [dreg:$0x3]  }
0x5: {  	s1 =	stileid.u32;
	s3 =	simm.s32 $0x0;
	s18 =	simm.s32 $0x7000  }
0x6: {  	s19 =	simm.s32 $0x80;
	s20 =	simm.s32 $0x1;
	s21 =	simm.s32 $0x0  }
0x7: {  	s12 =	sand.u32 $0x1, s0;
	s0 =	rddreg [dreg:$0x4];
	s11 =	smul.u32 $0x4F000, s1  }
0x8: {  	[smem:$0x7FF] =	sst s3;
	s14 =	sadd.s32 $0x29C00, s5;
	s16 =	smul.u32 $0x13C00, s1  }
0x9: {  	s4 =	sshll.u32 s12, $0x4;
	s8 =	ssub.s32 $0x2, s12;
	_ =	strace $0x80000050  }
0xa: {  	s13 =	smul.u32 $0x138800, s12;
	p0 =	seq.s32 s12, $0x0;
	s12 =	simm.s32 $0x69  }
0xb: {  	s4 =	sor.u32 s1, s4;
	s10 =	sshrl.u32 s8, $0x1;
	s31 =	sshrl.u32 s11, $0x2  }
0xc: {  	s12 =	simm.s32 @!p0 $0x35;
	p0 =	seq.s32 s1, $0xF;
	s9 =	smul.u32 $0x700, s4  }
0xd: {  	s4 =	sadd.s32 $0x2A00, s5;
	s15 =	ssub.s32 s8, s10;
	s16 =	sadd.s32 s16, s13  }
0xe: {  	s17 =	sshrl.u32 s13, $0x3;
	s16 =	sshrl.u32 s16, $0x3;
	s15 =	smax.u32 s15, $0x1  }
0xf: {  	s5 =	sadd.s32 s6, s9;
	s6 =	sadd.s32 s7, s9;
	s7 =	sadd.s32 s31, s2  }
0x10: {  	s13 =	sadd.s32 s14, s16;
	s14 =	sadd.s32 s14, s17;
	s16 =	simm.s32 $0x2  }
0x11: {  	s17 =	simm.s32 $0x3800;
	s8 =	sadd.s32 $0x4000, s7;
	s9 =	sadd.s32 $0x8000, s7  }
0x12: {  	v0 =	vimm.f32 $0.0e+00;
	s10 =	sadd.s32 $0xC000, s7;
	s11 =	sadd.s32 $0x10000, s7;
	s14 =	sadd.s32 $0x25080, s14  }
.LBB2_1:
0x13: {  	[tilespmem:s3], [sflag:$0x2] =	stream.linear.gather [hbm4b:s5+s3], $0x3480, $0x38;
	[tilespmem:$0x1EC00] =	vst v63  }
0x14: {  	_ =	swait.ge [sflag:s16], $0x3480  }
0x15: {  	[sflag:s16] =	ssyncset.done $0x0  }
0x16: {  	[sflag:s16] =	ssyncadd.s32 $0xFFFFCB80  }
0x17: {  	[tilespmem:s17], [sflag:$0x2] =	stream.linear.gather [hbm4b:s6+s3], $0x3480, $0x38;
	[tilespmem:$0x1EC00] =	vst v63  }
0x18: {  	_ =	swait.ge [sflag:s16], $0x3480  }
0x19: {  	[sflag:s16] =	ssyncset.done $0x0  }
0x1a: {  	s22 =	simm.s32 $0x0;
	s23 =	simm.s32 $0x200;
	[sflag:s16] =	ssyncadd.s32 $0xFFFFCB80  }
.LBB2_2:
0x1b: {  	p1 =	sne.s32 s23, $0xFE00;
	[tilespmem:s22+$0x7070] =	vst v0  }
0x1c: {  	[tilespmem:s22+$0x7000] =	vst v0  }
0x1d: {  	[tilespmem:s22+$0x7010] =	vst v0  }
.Ltmp0:
0x1e: {  	[tilespmem:s22+$0x7020] =	vst v0;
	(pc) =	sbr.rel @p1 .LBB2_2-.Ltmp0, $4  }
0x1f: {  	[tilespmem:s22+$0x7030] =	vst v0  }
0x20: {  	[tilespmem:s22+$0x7040] =	vst v0  }
0x21: {  	[tilespmem:s22+$0x7050] =	vst v0  }
0x22: {  	[tilespmem:s22+$0x7060] =	vst v0;
	s22 =	sshra.s32 s23, $0x2;
	s23 =	sadd.s32 $0x200, s23  }
0x23: {  	[tilespmem:s22+$0x7070] =	vst v0  }
0x24: {  	[tilespmem:s22+$0x7000] =	vst v0  }
0x25: {  	[tilespmem:s22+$0x7010] =	vst v0  }
0x26: {  	[tilespmem:s22+$0x7020] =	vst v0  }
0x27: {  	[tilespmem:s22+$0x7030] =	vst v0  }
0x28: {  	[tilespmem:s22+$0x7040] =	vst v0  }
0x29: {  	[tilespmem:s22+$0x7050] =	vst v0  }
0x2a: {  	[tilespmem:s22+$0x7060] =	vst v0  }
0x2b: {  	[spmem:s7] =	stream.linear.scatter [tilespmem:s18], [sflag:$0x2], $0x4000, $0x38;
	[tilespmem:$0x1EC00] =	vst v63  }
0x2c: {  	_ =	swait.ge [sflag:s16], $0x4000  }
0x2d: {  	[sflag:s16] =	ssyncset.done $0x0  }
0x2e: {  	[sflag:s16] =	ssyncadd.s32 $0xFFFFC000  }
0x2f: {  	[spmem:s8] =	stream.linear.scatter [tilespmem:s18], [sflag:$0x2], $0x4000, $0x38;
	[tilespmem:$0x1EC00] =	vst v63  }
0x30: {  	_ =	swait.ge [sflag:s16], $0x4000  }
0x31: {  	[sflag:s16] =	ssyncset.done $0x0  }
0x32: {  	[sflag:s16] =	ssyncadd.s32 $0xFFFFC000  }
0x33: {  	[spmem:s9] =	stream.linear.scatter [tilespmem:s18], [sflag:$0x2], $0x4000, $0x38;
	[tilespmem:$0x1EC00] =	vst v63  }
0x34: {  	_ =	swait.ge [sflag:s16], $0x4000  }
0x35: {  	[sflag:s16] =	ssyncset.done $0x0  }
0x36: {  	[sflag:s16] =	ssyncadd.s32 $0xFFFFC000  }
0x37: {  	[spmem:s10] =	stream.linear.scatter [tilespmem:s18], [sflag:$0x2], $0x4000, $0x38;
	[tilespmem:$0x1EC00] =	vst v63  }
0x38: {  	_ =	swait.ge [sflag:s16], $0x4000  }
0x39: {  	[sflag:s16] =	ssyncset.done $0x0  }
0x3a: {  	[sflag:s16] =	ssyncadd.s32 $0xFFFFC000  }
0x3b: {  	[spmem:s11] =	stream.linear.scatter [tilespmem:s18], [sflag:$0x2], $0x3C00, $0x38;
	[tilespmem:$0x1EC00] =	vst v63  }
0x3c: {  	_ =	swait.ge [sflag:s16], $0x3C00  }
0x3d: {  	[sflag:s16] =	ssyncset.done $0x0  }
0x3e: {  	[sflag:s16] =	ssyncadd.s32 $0xFFFFC400  }
0x3f: {  	s22 =	simm.s32 $0x0;
	[bflag:$0x0] =	sbarrier.arrive $0xFFFF  }
0x40: {  	[tilespmem:s18], [sflag:$0x1] =	stream.indirect.gather [hbm4b:s4+s19], $0x80, s22, s19, $0xb8;
	[tilespmem:$0x1EC00] =	vst v63  }
0x41: {  	p1 =	sne.s32 s12, $0x1;
	_ =	swait.ge [sflag:s20], $0x4000  }
.Ltmp1:
0x42: {  	[sflag:s20] =	ssyncset.done $0x0;
	(pc) =	sbr.rel @!p1 .LBB2_5-.Ltmp1, $4  }
0x43: {  	s23 =	simm.s32 $0x3800;
	[sflag:s20] =	ssyncadd.s32 $0xFFFFC000  }
0x44: {  	[spmem:s2] =	stream.indirect.scatter.add.f32 [tilespmem:s18], [sflag:$0x2], $0x80, s23, s19, $0xb8;
	[tilespmem:$0x1EC00] =	vst v63  }
0x45: {  	_ =	swait.ge [sflag:s16], $0x4000  }
0x46: {  	s24 =	sadd.s32 $0xFFFFFFFF, s12;
	[sflag:s16] =	ssyncset.done $0x0  }
.LBB2_4:
0x47: {  	[sflag:s16] =	ssyncadd.s32 $0xFFFFC000;
	s22 =	sadd.s32 $0x80, s22;
	s23 =	sadd.s32 $0x80, s23  }
0x48: {  	[tilespmem:s18], [sflag:$0x1] =	stream.indirect.gather [hbm4b:s4+s19], $0x80, s22, s19, $0xb8;
	[tilespmem:$0x1EC00] =	vst v63  }
0x49: {  	p1 =	sne.s32 s24, $0x1;
	s24 =	sadd.s32 $0xFFFFFFFF, s24;
	_ =	swait.ge [sflag:s20], $0x4000  }
.Ltmp2:
0x4a: {  	[sflag:s20] =	ssyncset.done $0x0;
	(pc) =	sbr.rel @p1 .LBB2_4-.Ltmp2, $4  }
0x4b: {  	[sflag:s20] =	ssyncadd.s32 $0xFFFFC000  }
0x4c: {  	[spmem:s2] =	stream.indirect.scatter.add.f32 [tilespmem:s18], [sflag:$0x2], $0x80, s23, s19, $0xb8;
	[tilespmem:$0x1EC00] =	vst v63  }
0x4d: {  	_ =	swait.ge [sflag:s16], $0x4000  }
0x4e: {  	[sflag:s16] =	ssyncset.done $0x0  }
.LBB2_5:
0x4f: {  	[sflag:s16] =	ssyncadd.s32 $0xFFFFC000  }
0x50: {  	s22 =	sshrl.u32 @p0 s7, $0x3;
	s23 =	simm.s32 @p0 $0x1FC2;
	[bflag:$0x0] =	sbarrier.arrive $0xFFFF  }
0x51: {  	[hbm:s14], [sflag:s23] =	dma.local @p0 [spmem:s22], $0x2080  }
0x52: {  	s22 =	simm.s32 @p0 $0x2  }
0x53: {  	s21 =	sadd.s32 $0x1, s21;
	_ =	swait.ge @p0 [sflag:s22], $0x2080  }
0x54: {  	p1 =	sne.s32 s21, s15;
	s23 =	sshll.u32 @!p0 s1, $0x6;
	[sflag:s22] =	ssyncset.done @p0 $0x0  }
0x55: {  	[sflag:s22] =	ssyncadd.s32 @p0 $0xFFFFDF80;
	s22 =	sor.u32 @!p0 $0x1C02, s23;
	s23 =	sshrl.u32 @!p0 s7, $0x3  }
0x56: {  	[hbm:s13], [sflag:s22] =	dma.local @!p0 [spmem:s23], $0x2780  }
.Ltmp3:
0x57: {  	_ = 	snop;
	(pc) =	sbr.rel @p1 .LBB2_1-.Ltmp3, $4  }
0x58: {  	s22 =	simm.s32 @!p0 $0x2  }
0x59: {  	_ =	swait.ge @!p0 [sflag:s22], $0x2780  }
0x5a: {  	[sflag:s22] =	ssyncset.done @!p0 $0x0  }
0x5b: {  	[sflag:s22] =	ssyncadd.s32 @!p0 $0xFFFFD880  }
0x5c: {  	_ =	sfence.sel $0x180000  }
0x5d: {  	[bflag:$0x0] =	sbarrier.arrive $0xFFFF  }
0x5e: {  	p0 =	sne.s32 s1, $0x0;
	_ =	strace $0x90000050  }
0x5f: {  	s0 =	sadd.s32 @!p0 $0x100000, s0;
	[bflag:$0x2] =	sbarrier.arrive $0xFFFF  }
0x60: {  	[sflag:s0] =	ssyncadd.tile.s32 @!p0 $0x1;
	_ =	shalt  }
.Lfunc_end2:
_tile_overlayer_lowered:
.L_overlay_start_2:
0x61: {  	(tag) =	ssettag $0x2  }
0x62: {  	s0 =	rddreg [dreg:$0x0];
	s2 =	stileid.u32  }
0x63: {  	s1 =	rddreg [dreg:$0x1];
	p0 =	sne.s32 s2, $0x0  }
0x64: {  	s3 =	rddreg [dreg:$0x2];
	[bflag:$0x3] =	sbarrier.arrive $0xFFFF;
	s2 =	simm.s32 @!p0 $0x1C02  }
0x65: {  	[timem:s3], [sflag:s2] =	dma.local @!p0 [hbm:s0], s1  }
0x66: {  	s0 =	simm.s32 @!p0 $0x2  }
0x67: {  	_ =	swait.ge @!p0 [sflag:s0], s1  }
0x68: {  	s1 =	ssub.s32 @!p0 $0x0, s1;
	[sflag:s0] =	ssyncset.done @!p0 $0x0  }
0x69: {  	[sflag:s0] =	ssyncadd.s32 @!p0 s1  }
0x6a: {  	[bflag:$0x3] =	sbarrier.arrive $0xFFFF  }
0x6b: {  	_ =	shalt  }

</sc_bundles>
